<compile_context>
chip_gen: v7x
topology: tpu7x:2x2x1
jax: 0.10.2.dev20260603
libtpu: 0.0.44.dev20260713+nightly
codegen_flags: <defaults>
</compile_context>

<pallas_src>
import functools

import jax
import jax.numpy as jnp
from jax import lax
from jax.experimental import pallas as pl
from jax.experimental.pallas import tpu as pltpu
from jax.experimental.pallas import tpu_sc as plsc

N_FIELDS = 26
VOCAB = 100000
HIDDEN = 64
BATCH = 16384

NC = 2
NS = 16
L = 16
NW = NC * NS
NPAIR = N_FIELDS * HIDDEN
PPT = NPAIR // NW
BCHUNK = 4096
UNROLL = 32


def _body(x_hbm, tab_hbm, out_hbm, vocab_v, x_v, res0, res1, ssem, osem):
    cid = lax.axis_index("c")
    sid = lax.axis_index("s")
    wid = sid * NC + cid
    p0 = wid * PPT
    res = (res0, res1)

    def pair_body(r, prev_f):
        p = p0 + r
        f = p // HIDDEN
        h = p % HIDDEN

        pltpu.async_copy(tab_hbm.at[f, h], vocab_v, ssem)

        @pl.when(f != prev_f)
        def _():
            pltpu.sync_copy(x_hbm.at[f], x_v)

        pltpu.make_async_copy(tab_hbm.at[f, h], vocab_v, ssem).wait()

        for c in range(BATCH // BCHUNK):
            b = c % 2

            @pl.when((r > 0) | (c > 1))
            def _():
                pltpu.make_async_copy(
                    res[b], out_hbm.at[f, h, pl.ds(0, BCHUNK)], osem
                ).wait()

            @plsc.parallel_loop(0, BCHUNK, step=L, unroll=UNROLL)
            def _(o):
                idx = x_v[pl.ds(c * BCHUNK + o, L)]
                res[b][pl.ds(o, L)] = plsc.load_gather(vocab_v, [idx])
            pltpu.async_copy(
                res[b], out_hbm.at[f, h, pl.ds(c * BCHUNK, BCHUNK)], osem
            )
        return f

    last_f = lax.fori_loop(0, PPT, pair_body, -1)
    for _ in range(2):
        pltpu.make_async_copy(
            res0, out_hbm.at[last_f, 0, pl.ds(0, BCHUNK)], osem
        ).wait()


def kernel(x_cat, tables):
    x_t = x_cat.T
    tab_t = tables.transpose(0, 2, 1)
    mesh = plsc.VectorSubcoreMesh(core_axis_name="c", subcore_axis_name="s")
    run = functools.partial(
        pl.kernel,
        out_type=jax.ShapeDtypeStruct((N_FIELDS, HIDDEN, BATCH), jnp.float32),
        mesh=mesh,
        compiler_params=pltpu.CompilerParams(needs_layout_passes=False),
        scratch_types=[
            pltpu.VMEM((VOCAB,), jnp.float32),
            pltpu.VMEM((BATCH,), jnp.int32),
            pltpu.VMEM((BCHUNK,), jnp.float32),
            pltpu.VMEM((BCHUNK,), jnp.float32),
            pltpu.SemaphoreType.DMA,
            pltpu.SemaphoreType.DMA,
        ],
    )(_body)
    out_t = run(x_t, tab_t)
    return out_t.transpose(2, 0, 1)

# --- scband reference (transcript-rebuilt; emitter-appended) ---
"""Pipeline reference for scband-categorical-conditional-prompt-56599079027022 (READ-ONLY COPY).

The authoritative reference and input builder live on the scoring server;
editing this copy changes nothing except your own understanding.
"""

import jax, jax.numpy as jnp
import numpy as np

N_FIELDS = 26
VOCAB = 100000
HIDDEN = 64
PROMPT_LEN = 1
BATCH = 16384

def setup_inputs(seed: int = 0) -> dict:
    key = jax.random.key(seed)
    k1, k2 = jax.random.split(key)
    x_cat = jax.random.randint(k1, (BATCH, N_FIELDS), 0, VOCAB, dtype=jnp.int32)
    # stacked embedding tables: one [VOCAB, HIDDEN*PROMPT_LEN] table per field
    tables = jax.random.normal(k2, (N_FIELDS, VOCAB, HIDDEN * PROMPT_LEN), dtype=jnp.float32) * 0.02
    return {"x_cat": x_cat, "tables": tables}

def reference(x_cat, tables):
    batch_size = x_cat.shape[0]
    cat_embeds = []
    for i in range(N_FIELDS):
        embed = jnp.take(tables[i], x_cat[:, i], axis=0)  # [B, HIDDEN*PROMPT_LEN]
        embed = embed.reshape(batch_size, PROMPT_LEN, HIDDEN)
        cat_embeds.append(embed)
    embeds = jnp.concatenate(cat_embeds, axis=1)  # [B, PROMPT_LEN*N_FIELDS, HIDDEN]
    return embeds

if __name__ == "__main__":
    import jax
    _d = setup_inputs()
    print(jax.jit(kernel)(*tuple(_d.values())))

</pallas_src>

<mosaic_0001>
#map = affine_map<(d0, d1) -> (0, 0)>
#map1 = affine_map<(d0, d1) -> (0, 0, 0)>
module attributes {stable_mosaic.version = 14 : i64} {
  func.func @_body(%arg0: i32, %arg1: i32, %arg2: memref<26x16384xi32, #tpu.memory_space<hbm>>, %arg3: memref<26x64x100000xf32, #tpu.memory_space<hbm>>, %arg4: memref<26x64x16384xf32, #tpu.memory_space<hbm>>, %arg5: memref<100000xf32, #tpu.memory_space<vmem>>, %arg6: memref<16384xi32, #tpu.memory_space<vmem>>, %arg7: memref<4096xf32, #tpu.memory_space<vmem>>, %arg8: memref<4096xf32, #tpu.memory_space<vmem>>, %arg9: memref<!tpu.dma_semaphore, #tpu.memory_space<semaphore_mem>>, %arg10: memref<!tpu.dma_semaphore, #tpu.memory_space<semaphore_mem>>) attributes {dimension_semantics = [#tpu.dimension_semantics<core_parallel>, #tpu.dimension_semantics<subcore_parallel>], iteration_bounds = array<i64: 2, 16>, scalar_prefetch = 0 : i64, scratch_operands = 6 : i64, tpu.core_type = #tpu.core_type<sc_vector_subcore>, window_params = [{transform_indices = #map}, {transform_indices = #map1}, {transform_indices = #map1}]} {
    %mul3A = arith.constant 2 : i32
    %mul3A_0 = arith.muli %arg1, %mul3A : i32
    %add3A = arith.addi %mul3A_0, %arg0 : i32
    %mul3A_1 = arith.constant 52 : i32
    %mul3A_2 = arith.muli %add3A, %mul3A_1 : i32
    %scan3A = arith.constant -1 : i32
    %scan3A_3 = arith.constant 0 : i32
    %scan3A_4 = arith.constant 52 : i32
    %scan3A_5 = arith.addi %scan3A_3, %scan3A_4 : i32
    %scan3A_6 = arith.constant 1 : i32
    %scan3A_7 = scf.for %scan3A_22 = %scan3A_3 to %scan3A_5 step %scan3A_6 iter_args(%scan3A_23 = %scan3A) -> (i32)  : i32 {
      %add3A_24 = arith.addi %mul3A_2, %scan3A_22 : i32
      %jit3A = arith.constant 64 : i32
      %div3A = arith.divsi %add3A_24, %jit3A : i32
      %sign3A = arith.constant 0 : i32
      %sign3A_25 = arith.cmpi sgt, %add3A_24, %sign3A : i32
      %sign3A_26 = arith.extui %sign3A_25 : i1 to i32
      %sign3A_27 = arith.constant 0 : i32
      %sign3A_28 = arith.cmpi slt, %add3A_24, %sign3A_27 : i32
      %sign3A_29 = arith.extui %sign3A_28 : i1 to i32
      %sign3A_30 = arith.subi %sign3A_26, %sign3A_29 : i32
      %sign3A_31 = arith.constant 0 : i32
      %sign3A_32 = arith.cmpi sgt, %jit3A, %sign3A_31 : i32
      %sign3A_33 = arith.extui %sign3A_32 : i1 to i32
      %sign3A_34 = arith.constant 0 : i32
      %sign3A_35 = arith.cmpi slt, %jit3A, %sign3A_34 : i32
      %sign3A_36 = arith.extui %sign3A_35 : i1 to i32
      %sign3A_37 = arith.subi %sign3A_33, %sign3A_36 : i32
      %ne3A = arith.cmpi ne, %sign3A_30, %sign3A_37 : i32
      %rem3A = arith.remsi %add3A_24, %jit3A : i32
      %ne3A_38 = arith.constant 0 : i32
      %ne3A_39 = arith.cmpi ne, %rem3A, %ne3A_38 : i32
      %and3A = arith.andi %ne3A, %ne3A_39 : i1
      %sub3A = arith.constant 1 : i32
      %sub3A_40 = arith.subi %div3A, %sub3A : i32
      %select_n3A = arith.select %and3A, %sub3A_40, %div3A : i32
      %jit3A_41 = arith.constant 64 : i32
      %eq3A = arith.constant 0 : i32
      %eq3A_42 = arith.cmpi eq, %jit3A_41, %eq3A : i32
      %jit3A_43 = arith.constant 1 : i32
      %select_n3A_44 = arith.select %eq3A_42, %jit3A_43, %jit3A_41 : i32
      %rem3A_45 = arith.remsi %add3A_24, %select_n3A_44 : i32
      %ne3A_46 = arith.constant 0 : i32
      %ne3A_47 = arith.cmpi ne, %rem3A_45, %ne3A_46 : i32
      %lt3A = arith.constant 0 : i32
      %lt3A_48 = arith.cmpi slt, %rem3A_45, %lt3A : i32
      %lt3A_49 = arith.constant 0 : i32
      %lt3A_50 = arith.cmpi slt, %select_n3A_44, %lt3A_49 : i32
      %ne3A_51 = arith.xori %lt3A_48, %lt3A_50 : i1
      %and3A_52 = arith.andi %ne3A_51, %ne3A_47 : i1
      %add3A_53 = arith.addi %rem3A_45, %select_n3A_44 : i32
      %select_n3A_54 = arith.select %and3A_52, %add3A_53, %rem3A_45 : i32
      %dma_start3A = arith.constant 0 : i32
      %dma_start3A_55 = tpu.memref_slice %arg3[%select_n3A, %select_n3A_54, %dma_start3A] : memref<26x64x100000xf32, #tpu.memory_space<hbm>> -> memref<1x1x100000xf32, #tpu.memory_space<hbm>>
      %dma_start3A_56 = tpu.memref_squeeze %dma_start3A_55 : memref<1x1x100000xf32, #tpu.memory_space<hbm>> -> memref<100000xf32, #tpu.memory_space<hbm>>
      %dma_start3A_57 = arith.constant 0 : i32
      %dma_start3A_58 = tpu.memref_slice %arg3[%select_n3A, %select_n3A_54, %dma_start3A_57] : memref<26x64x100000xf32, #tpu.memory_space<hbm>> -> memref<1x1x100000xf32, #tpu.memory_space<hbm>>
      %dma_start3A_59 = tpu.memref_squeeze %dma_start3A_58 : memref<1x1x100000xf32, #tpu.memory_space<hbm>> -> memref<100000xf32, #tpu.memory_space<hbm>>
      tpu.enqueue_dma source(%dma_start3A_59 : memref<100000xf32, #tpu.memory_space<hbm>>) target(%arg5 : memref<100000xf32, #tpu.memory_space<vmem>>) target_semaphore(%arg9 : memref<!tpu.dma_semaphore, #tpu.memory_space<semaphore_mem>>)
      %ne3A_60 = arith.cmpi ne, %select_n3A, %scan3A_23 : i32
      %convert_element_type3A = arith.extui %ne3A_60 : i1 to i32
      %cond3A = arith.constant 0 : i32
      %cond3A_61 = arith.cmpi ne, %convert_element_type3A, %cond3A : i32
      scf.if %cond3A_61 {
        "tpu.region"() ({
          %run_scoped3A = tpu.sem_alloc : memref<!tpu.dma_semaphore, #tpu.memory_space<semaphore_mem>>
          %dma_start3A_129 = arith.constant 0 : i32
          %dma_start3A_130 = tpu.memref_slice %arg2[%select_n3A, %dma_start3A_129] : memref<26x16384xi32, #tpu.memory_space<hbm>> -> memref<1x16384xi32, #tpu.memory_space<hbm>>
          %dma_start3A_131 = tpu.memref_squeeze %dma_start3A_130 : memref<1x16384xi32, #tpu.memory_space<hbm>> -> memref<16384xi32, #tpu.memory_space<hbm>>
          %dma_start3A_132 = arith.constant 0 : i32
          %dma_start3A_133 = tpu.memref_slice %arg2[%select_n3A, %dma_start3A_132] : memref<26x16384xi32, #tpu.memory_space<hbm>> -> memref<1x16384xi32, #tpu.memory_space<hbm>>
          %dma_start3A_134 = tpu.memref_squeeze %dma_start3A_133 : memref<1x16384xi32, #tpu.memory_space<hbm>> -> memref<16384xi32, #tpu.memory_space<hbm>>
          tpu.enqueue_dma source(%dma_start3A_134 : memref<16384xi32, #tpu.memory_space<hbm>>) target(%arg6 : memref<16384xi32, #tpu.memory_space<vmem>>) target_semaphore(%run_scoped3A : memref<!tpu.dma_semaphore, #tpu.memory_space<semaphore_mem>>)
          %dma_wait3A_135 = arith.constant 0 : i32
          %dma_wait3A_136 = tpu.memref_slice %arg2[%select_n3A, %dma_wait3A_135] : memref<26x16384xi32, #tpu.memory_space<hbm>> -> memref<1x16384xi32, #tpu.memory_space<hbm>>
          %dma_wait3A_137 = tpu.memref_squeeze %dma_wait3A_136 : memref<1x16384xi32, #tpu.memory_space<hbm>> -> memref<16384xi32, #tpu.memory_space<hbm>>
          %dma_wait3A_138 = arith.constant 0 : i32
          %dma_wait3A_139 = tpu.memref_slice %arg2[%select_n3A, %dma_wait3A_138] : memref<26x16384xi32, #tpu.memory_space<hbm>> -> memref<1x16384xi32, #tpu.memory_space<hbm>>
          %dma_wait3A_140 = tpu.memref_squeeze %dma_wait3A_139 : memref<1x16384xi32, #tpu.memory_space<hbm>> -> memref<16384xi32, #tpu.memory_space<hbm>>
          tpu.wait_dma2 semaphore(%run_scoped3A : memref<!tpu.dma_semaphore, #tpu.memory_space<semaphore_mem>>) src(%dma_wait3A_140 : memref<16384xi32, #tpu.memory_space<hbm>>) dst(%arg6 : memref<16384xi32, #tpu.memory_space<vmem>>)
          tpu.yield
        }) : () -> ()
      } else {
      }
      %dma_wait3A_62 = arith.constant 0 : i32
      %dma_wait3A_63 = tpu.memref_slice %arg3[%select_n3A, %select_n3A_54, %dma_wait3A_62] : memref<26x64x100000xf32, #tpu.memory_space<hbm>> -> memref<1x1x100000xf32, #tpu.memory_space<hbm>>
      %dma_wait3A_64 = tpu.memref_squeeze %dma_wait3A_63 : memref<1x1x100000xf32, #tpu.memory_space<hbm>> -> memref<100000xf32, #tpu.memory_space<hbm>>
      %dma_wait3A_65 = arith.constant 0 : i32
      %dma_wait3A_66 = tpu.memref_slice %arg3[%select_n3A, %select_n3A_54, %dma_wait3A_65] : memref<26x64x100000xf32, #tpu.memory_space<hbm>> -> memref<1x1x100000xf32, #tpu.memory_space<hbm>>
      %dma_wait3A_67 = tpu.memref_squeeze %dma_wait3A_66 : memref<1x1x100000xf32, #tpu.memory_space<hbm>> -> memref<100000xf32, #tpu.memory_space<hbm>>
      tpu.wait_dma2 semaphore(%arg9 : memref<!tpu.dma_semaphore, #tpu.memory_space<semaphore_mem>>) src(%dma_wait3A_67 : memref<100000xf32, #tpu.memory_space<hbm>>) dst(%arg5 : memref<100000xf32, #tpu.memory_space<vmem>>)
      %gt3A = arith.constant 0 : i32
      %gt3A_68 = arith.cmpi sgt, %scan3A_22, %gt3A : i32
      %or3A = arith.constant false
      %or3A_69 = arith.ori %gt3A_68, %or3A : i1
      %convert_element_type3A_70 = arith.extui %or3A_69 : i1 to i32
      %cond3A_71 = arith.constant 0 : i32
      %cond3A_72 = arith.cmpi ne, %convert_element_type3A_70, %cond3A_71 : i32
      scf.if %cond3A_72 {
        %dma_wait3A_129 = arith.constant 0 : i32
        %dma_wait3A_130 = tpu.memref_slice %arg4[%select_n3A, %select_n3A_54, %dma_wait3A_129] : memref<26x64x16384xf32, #tpu.memory_space<hbm>> -> memref<1x1x4096xf32, #tpu.memory_space<hbm>>
        %dma_wait3A_131 = tpu.memref_squeeze %dma_wait3A_130 : memref<1x1x4096xf32, #tpu.memory_space<hbm>> -> memref<4096xf32, #tpu.memory_space<hbm>>
        %dma_wait3A_132 = arith.constant 0 : i32
        %dma_wait3A_133 = tpu.memref_slice %arg4[%select_n3A, %select_n3A_54, %dma_wait3A_132] : memref<26x64x16384xf32, #tpu.memory_space<hbm>> -> memref<1x1x4096xf32, #tpu.memory_space<hbm>>
        %dma_wait3A_134 = tpu.memref_squeeze %dma_wait3A_133 : memref<1x1x4096xf32, #tpu.memory_space<hbm>> -> memref<4096xf32, #tpu.memory_space<hbm>>
        tpu.wait_dma2 semaphore(%arg10 : memref<!tpu.dma_semaphore, #tpu.memory_space<semaphore_mem>>) src(%arg7 : memref<4096xf32, #tpu.memory_space<vmem>>) dst(%dma_wait3A_134 : memref<4096xf32, #tpu.memory_space<hbm>>)
      } else {
      }
      %parallel_loop3A = arith.constant 0 : i32
      %parallel_loop3A_73 = arith.constant 4096 : i32
      %parallel_loop3A_74 = arith.constant 16 : i32
      scf.for %parallel_loop3A_129 = %parallel_loop3A to %parallel_loop3A_73 step %parallel_loop3A_74  : i32 {
        %parallel_loop3A_130 = arith.constant 0 : i32
        %parallel_loop3A_131 = arith.addi %parallel_loop3A_130, %parallel_loop3A_129 : i32
        %parallel_loop3A_132 = arith.index_cast %parallel_loop3A_131 : i32 to index
        %parallel_loop3A_133 = tpu.vector_load %arg6[%parallel_loop3A_132] {strides = array<i32>} : memref<16384xi32, #tpu.memory_space<vmem>>, vector<16xi32>,
        %parallel_loop3A_134 = tpu.vector_load_idx %arg5[%parallel_loop3A_133] : memref<100000xf32, #tpu.memory_space<vmem>>[vector<16xi32>], vector<16xf32>,
        %parallel_loop3A_135 = arith.index_cast %parallel_loop3A_129 : i32 to index
        %parallel_loop3A_136 = tpu.vector_load %arg7[%parallel_loop3A_135] {strides = array<i32>} : memref<4096xf32, #tpu.memory_space<vmem>>, vector<16xf32>,
        tpu.vector_store %arg7[%parallel_loop3A_135], %parallel_loop3A_134 {strides = array<i32>} : memref<4096xf32, #tpu.memory_space<vmem>>, vector<16xf32>,
      } {sc.loop_unroll_factor = 32 : i64, sc.parallel_access}
      %dma_start3A_75 = arith.constant 0 : i32
      %dma_start3A_76 = tpu.memref_slice %arg4[%select_n3A, %select_n3A_54, %dma_start3A_75] : memref<26x64x16384xf32, #tpu.memory_space<hbm>> -> memref<1x1x4096xf32, #tpu.memory_space<hbm>>
      %dma_start3A_77 = tpu.memref_squeeze %dma_start3A_76 : memref<1x1x4096xf32, #tpu.memory_space<hbm>> -> memref<4096xf32, #tpu.memory_space<hbm>>
      %dma_start3A_78 = arith.constant 0 : i32
      %dma_start3A_79 = tpu.memref_slice %arg4[%select_n3A, %select_n3A_54, %dma_start3A_78] : memref<26x64x16384xf32, #tpu.memory_space<hbm>> -> memref<1x1x4096xf32, #tpu.memory_space<hbm>>
      %dma_start3A_80 = tpu.memref_squeeze %dma_start3A_79 : memref<1x1x4096xf32, #tpu.memory_space<hbm>> -> memref<4096xf32, #tpu.memory_space<hbm>>
      tpu.enqueue_dma source(%arg7 : memref<4096xf32, #tpu.memory_space<vmem>>) target(%dma_start3A_80 : memref<4096xf32, #tpu.memory_space<hbm>>) target_semaphore(%arg10 : memref<!tpu.dma_semaphore, #tpu.memory_space<semaphore_mem>>)
      %gt3A_81 = arith.constant 0 : i32
      %gt3A_82 = arith.cmpi sgt, %scan3A_22, %gt3A_81 : i32
      %or3A_83 = arith.constant false
      %or3A_84 = arith.ori %gt3A_82, %or3A_83 : i1
      %convert_element_type3A_85 = arith.extui %or3A_84 : i1 to i32
      %cond3A_86 = arith.constant 0 : i32
      %cond3A_87 = arith.cmpi ne, %convert_element_type3A_85, %cond3A_86 : i32
      scf.if %cond3A_87 {
        %dma_wait3A_129 = arith.constant 0 : i32
        %dma_wait3A_130 = tpu.memref_slice %arg4[%select_n3A, %select_n3A_54, %dma_wait3A_129] : memref<26x64x16384xf32, #tpu.memory_space<hbm>> -> memref<1x1x4096xf32, #tpu.memory_space<hbm>>
        %dma_wait3A_131 = tpu.memref_squeeze %dma_wait3A_130 : memref<1x1x4096xf32, #tpu.memory_space<hbm>> -> memref<4096xf32, #tpu.memory_space<hbm>>
        %dma_wait3A_132 = arith.constant 0 : i32
        %dma_wait3A_133 = tpu.memref_slice %arg4[%select_n3A, %select_n3A_54, %dma_wait3A_132] : memref<26x64x16384xf32, #tpu.memory_space<hbm>> -> memref<1x1x4096xf32, #tpu.memory_space<hbm>>
        %dma_wait3A_134 = tpu.memref_squeeze %dma_wait3A_133 : memref<1x1x4096xf32, #tpu.memory_space<hbm>> -> memref<4096xf32, #tpu.memory_space<hbm>>
        tpu.wait_dma2 semaphore(%arg10 : memref<!tpu.dma_semaphore, #tpu.memory_space<semaphore_mem>>) src(%arg8 : memref<4096xf32, #tpu.memory_space<vmem>>) dst(%dma_wait3A_134 : memref<4096xf32, #tpu.memory_space<hbm>>)
      } else {
      }
      %parallel_loop3A_88 = arith.constant 0 : i32
      %parallel_loop3A_89 = arith.constant 4096 : i32
      %parallel_loop3A_90 = arith.constant 16 : i32
      scf.for %parallel_loop3A_129 = %parallel_loop3A_88 to %parallel_loop3A_89 step %parallel_loop3A_90  : i32 {
        %parallel_loop3A_130 = arith.constant 4096 : i32
        %parallel_loop3A_131 = arith.addi %parallel_loop3A_130, %parallel_loop3A_129 : i32
        %parallel_loop3A_132 = arith.index_cast %parallel_loop3A_131 : i32 to index
        %parallel_loop3A_133 = tpu.vector_load %arg6[%parallel_loop3A_132] {strides = array<i32>} : memref<16384xi32, #tpu.memory_space<vmem>>, vector<16xi32>,
        %parallel_loop3A_134 = tpu.vector_load_idx %arg5[%parallel_loop3A_133] : memref<100000xf32, #tpu.memory_space<vmem>>[vector<16xi32>], vector<16xf32>,
        %parallel_loop3A_135 = arith.index_cast %parallel_loop3A_129 : i32 to index
        %parallel_loop3A_136 = tpu.vector_load %arg8[%parallel_loop3A_135] {strides = array<i32>} : memref<4096xf32, #tpu.memory_space<vmem>>, vector<16xf32>,
        tpu.vector_store %arg8[%parallel_loop3A_135], %parallel_loop3A_134 {strides = array<i32>} : memref<4096xf32, #tpu.memory_space<vmem>>, vector<16xf32>,
      } {sc.loop_unroll_factor = 32 : i64, sc.parallel_access}
      %dma_start3A_91 = arith.constant 4096 : i32
      %dma_start3A_92 = tpu.memref_slice %arg4[%select_n3A, %select_n3A_54, %dma_start3A_91] : memref<26x64x16384xf32, #tpu.memory_space<hbm>> -> memref<1x1x4096xf32, #tpu.memory_space<hbm>>
      %dma_start3A_93 = tpu.memref_squeeze %dma_start3A_92 : memref<1x1x4096xf32, #tpu.memory_space<hbm>> -> memref<4096xf32, #tpu.memory_space<hbm>>
      %dma_start3A_94 = arith.constant 4096 : i32
      %dma_start3A_95 = tpu.memref_slice %arg4[%select_n3A, %select_n3A_54, %dma_start3A_94] : memref<26x64x16384xf32, #tpu.memory_space<hbm>> -> memref<1x1x4096xf32, #tpu.memory_space<hbm>>
      %dma_start3A_96 = tpu.memref_squeeze %dma_start3A_95 : memref<1x1x4096xf32, #tpu.memory_space<hbm>> -> memref<4096xf32, #tpu.memory_space<hbm>>
      tpu.enqueue_dma source(%arg8 : memref<4096xf32, #tpu.memory_space<vmem>>) target(%dma_start3A_96 : memref<4096xf32, #tpu.memory_space<hbm>>) target_semaphore(%arg10 : memref<!tpu.dma_semaphore, #tpu.memory_space<semaphore_mem>>)
      %gt3A_97 = arith.constant 0 : i32
      %gt3A_98 = arith.cmpi sgt, %scan3A_22, %gt3A_97 : i32
      %or3A_99 = arith.constant true
      %or3A_100 = arith.ori %gt3A_98, %or3A_99 : i1
      %convert_element_type3A_101 = arith.extui %or3A_100 : i1 to i32
      %cond3A_102 = arith.constant 0 : i32
      %cond3A_103 = arith.cmpi ne, %convert_element_type3A_101, %cond3A_102 : i32
      scf.if %cond3A_103 {
        %dma_wait3A_129 = arith.constant 0 : i32
        %dma_wait3A_130 = tpu.memref_slice %arg4[%select_n3A, %select_n3A_54, %dma_wait3A_129] : memref<26x64x16384xf32, #tpu.memory_space<hbm>> -> memref<1x1x4096xf32, #tpu.memory_space<hbm>>
        %dma_wait3A_131 = tpu.memref_squeeze %dma_wait3A_130 : memref<1x1x4096xf32, #tpu.memory_space<hbm>> -> memref<4096xf32, #tpu.memory_space<hbm>>
        %dma_wait3A_132 = arith.constant 0 : i32
        %dma_wait3A_133 = tpu.memref_slice %arg4[%select_n3A, %select_n3A_54, %dma_wait3A_132] : memref<26x64x16384xf32, #tpu.memory_space<hbm>> -> memref<1x1x4096xf32, #tpu.memory_space<hbm>>
        %dma_wait3A_134 = tpu.memref_squeeze %dma_wait3A_133 : memref<1x1x4096xf32, #tpu.memory_space<hbm>> -> memref<4096xf32, #tpu.memory_space<hbm>>
        tpu.wait_dma2 semaphore(%arg10 : memref<!tpu.dma_semaphore, #tpu.memory_space<semaphore_mem>>) src(%arg7 : memref<4096xf32, #tpu.memory_space<vmem>>) dst(%dma_wait3A_134 : memref<4096xf32, #tpu.memory_space<hbm>>)
      } else {
      }
      %parallel_loop3A_104 = arith.constant 0 : i32
      %parallel_loop3A_105 = arith.constant 4096 : i32
      %parallel_loop3A_106 = arith.constant 16 : i32
      scf.for %parallel_loop3A_129 = %parallel_loop3A_104 to %parallel_loop3A_105 step %parallel_loop3A_106  : i32 {
        %parallel_loop3A_130 = arith.constant 8192 : i32
        %parallel_loop3A_131 = arith.addi %parallel_loop3A_130, %parallel_loop3A_129 : i32
        %parallel_loop3A_132 = arith.index_cast %parallel_loop3A_131 : i32 to index
        %parallel_loop3A_133 = tpu.vector_load %arg6[%parallel_loop3A_132] {strides = array<i32>} : memref<16384xi32, #tpu.memory_space<vmem>>, vector<16xi32>,
        %parallel_loop3A_134 = tpu.vector_load_idx %arg5[%parallel_loop3A_133] : memref<100000xf32, #tpu.memory_space<vmem>>[vector<16xi32>], vector<16xf32>,
        %parallel_loop3A_135 = arith.index_cast %parallel_loop3A_129 : i32 to index
        %parallel_loop3A_136 = tpu.vector_load %arg7[%parallel_loop3A_135] {strides = array<i32>} : memref<4096xf32, #tpu.memory_space<vmem>>, vector<16xf32>,
        tpu.vector_store %arg7[%parallel_loop3A_135], %parallel_loop3A_134 {strides = array<i32>} : memref<4096xf32, #tpu.memory_space<vmem>>, vector<16xf32>,
      } {sc.loop_unroll_factor = 32 : i64, sc.parallel_access}
      %dma_start3A_107 = arith.constant 8192 : i32
      %dma_start3A_108 = tpu.memref_slice %arg4[%select_n3A, %select_n3A_54, %dma_start3A_107] : memref<26x64x16384xf32, #tpu.memory_space<hbm>> -> memref<1x1x4096xf32, #tpu.memory_space<hbm>>
      %dma_start3A_109 = tpu.memref_squeeze %dma_start3A_108 : memref<1x1x4096xf32, #tpu.memory_space<hbm>> -> memref<4096xf32, #tpu.memory_space<hbm>>
      %dma_start3A_110 = arith.constant 8192 : i32
      %dma_start3A_111 = tpu.memref_slice %arg4[%select_n3A, %select_n3A_54, %dma_start3A_110] : memref<26x64x16384xf32, #tpu.memory_space<hbm>> -> memref<1x1x4096xf32, #tpu.memory_space<hbm>>
      %dma_start3A_112 = tpu.memref_squeeze %dma_start3A_111 : memref<1x1x4096xf32, #tpu.memory_space<hbm>> -> memref<4096xf32, #tpu.memory_space<hbm>>
      tpu.enqueue_dma source(%arg7 : memref<4096xf32, #tpu.memory_space<vmem>>) target(%dma_start3A_112 : memref<4096xf32, #tpu.memory_space<hbm>>) target_semaphore(%arg10 : memref<!tpu.dma_semaphore, #tpu.memory_space<semaphore_mem>>)
      %gt3A_113 = arith.constant 0 : i32
      %gt3A_114 = arith.cmpi sgt, %scan3A_22, %gt3A_113 : i32
      %or3A_115 = arith.constant true
      %or3A_116 = arith.ori %gt3A_114, %or3A_115 : i1
      %convert_element_type3A_117 = arith.extui %or3A_116 : i1 to i32
      %cond3A_118 = arith.constant 0 : i32
      %cond3A_119 = arith.cmpi ne, %convert_element_type3A_117, %cond3A_118 : i32
      scf.if %cond3A_119 {
        %dma_wait3A_129 = arith.constant 0 : i32
        %dma_wait3A_130 = tpu.memref_slice %arg4[%select_n3A, %select_n3A_54, %dma_wait3A_129] : memref<26x64x16384xf32, #tpu.memory_space<hbm>> -> memref<1x1x4096xf32, #tpu.memory_space<hbm>>
        %dma_wait3A_131 = tpu.memref_squeeze %dma_wait3A_130 : memref<1x1x4096xf32, #tpu.memory_space<hbm>> -> memref<4096xf32, #tpu.memory_space<hbm>>
        %dma_wait3A_132 = arith.constant 0 : i32
        %dma_wait3A_133 = tpu.memref_slice %arg4[%select_n3A, %select_n3A_54, %dma_wait3A_132] : memref<26x64x16384xf32, #tpu.memory_space<hbm>> -> memref<1x1x4096xf32, #tpu.memory_space<hbm>>
        %dma_wait3A_134 = tpu.memref_squeeze %dma_wait3A_133 : memref<1x1x4096xf32, #tpu.memory_space<hbm>> -> memref<4096xf32, #tpu.memory_space<hbm>>
        tpu.wait_dma2 semaphore(%arg10 : memref<!tpu.dma_semaphore, #tpu.memory_space<semaphore_mem>>) src(%arg8 : memref<4096xf32, #tpu.memory_space<vmem>>) dst(%dma_wait3A_134 : memref<4096xf32, #tpu.memory_space<hbm>>)
      } else {
      }
      %parallel_loop3A_120 = arith.constant 0 : i32
      %parallel_loop3A_121 = arith.constant 4096 : i32
      %parallel_loop3A_122 = arith.constant 16 : i32
      scf.for %parallel_loop3A_129 = %parallel_loop3A_120 to %parallel_loop3A_121 step %parallel_loop3A_122  : i32 {
        %parallel_loop3A_130 = arith.constant 12288 : i32
        %parallel_loop3A_131 = arith.addi %parallel_loop3A_130, %parallel_loop3A_129 : i32
        %parallel_loop3A_132 = arith.index_cast %parallel_loop3A_131 : i32 to index
        %parallel_loop3A_133 = tpu.vector_load %arg6[%parallel_loop3A_132] {strides = array<i32>} : memref<16384xi32, #tpu.memory_space<vmem>>, vector<16xi32>,
        %parallel_loop3A_134 = tpu.vector_load_idx %arg5[%parallel_loop3A_133] : memref<100000xf32, #tpu.memory_space<vmem>>[vector<16xi32>], vector<16xf32>,
        %parallel_loop3A_135 = arith.index_cast %parallel_loop3A_129 : i32 to index
        %parallel_loop3A_136 = tpu.vector_load %arg8[%parallel_loop3A_135] {strides = array<i32>} : memref<4096xf32, #tpu.memory_space<vmem>>, vector<16xf32>,
        tpu.vector_store %arg8[%parallel_loop3A_135], %parallel_loop3A_134 {strides = array<i32>} : memref<4096xf32, #tpu.memory_space<vmem>>, vector<16xf32>,
      } {sc.loop_unroll_factor = 32 : i64, sc.parallel_access}
      %dma_start3A_123 = arith.constant 12288 : i32
      %dma_start3A_124 = tpu.memref_slice %arg4[%select_n3A, %select_n3A_54, %dma_start3A_123] : memref<26x64x16384xf32, #tpu.memory_space<hbm>> -> memref<1x1x4096xf32, #tpu.memory_space<hbm>>
      %dma_start3A_125 = tpu.memref_squeeze %dma_start3A_124 : memref<1x1x4096xf32, #tpu.memory_space<hbm>> -> memref<4096xf32, #tpu.memory_space<hbm>>
      %dma_start3A_126 = arith.constant 12288 : i32
      %dma_start3A_127 = tpu.memref_slice %arg4[%select_n3A, %select_n3A_54, %dma_start3A_126] : memref<26x64x16384xf32, #tpu.memory_space<hbm>> -> memref<1x1x4096xf32, #tpu.memory_space<hbm>>
      %dma_start3A_128 = tpu.memref_squeeze %dma_start3A_127 : memref<1x1x4096xf32, #tpu.memory_space<hbm>> -> memref<4096xf32, #tpu.memory_space<hbm>>
      tpu.enqueue_dma source(%arg8 : memref<4096xf32, #tpu.memory_space<vmem>>) target(%dma_start3A_128 : memref<4096xf32, #tpu.memory_space<hbm>>) target_semaphore(%arg10 : memref<!tpu.dma_semaphore, #tpu.memory_space<semaphore_mem>>)
      scf.yield %select_n3A : i32
    }
    %scan3A_8 = arith.constant 52 : i32
    %dma_wait3A = arith.constant 0 : i32
    %dma_wait3A_9 = arith.constant 0 : i32
    %dma_wait3A_10 = tpu.memref_slice %arg4[%scan3A_7, %dma_wait3A, %dma_wait3A_9] : memref<26x64x16384xf32, #tpu.memory_space<hbm>> -> memref<1x1x4096xf32, #tpu.memory_space<hbm>>
    %dma_wait3A_11 = tpu.memref_squeeze %dma_wait3A_10 : memref<1x1x4096xf32, #tpu.memory_space<hbm>> -> memref<4096xf32, #tpu.memory_space<hbm>>
    %dma_wait3A_12 = arith.constant 0 : i32
    %dma_wait3A_13 = tpu.memref_slice %arg4[%scan3A_7, %dma_wait3A, %dma_wait3A_12] : memref<26x64x16384xf32, #tpu.memory_space<hbm>> -> memref<1x1x4096xf32, #tpu.memory_space<hbm>>
    %dma_wait3A_14 = tpu.memref_squeeze %dma_wait3A_13 : memref<1x1x4096xf32, #tpu.memory_space<hbm>> -> memref<4096xf32, #tpu.memory_space<hbm>>
    tpu.wait_dma2 semaphore(%arg10 : memref<!tpu.dma_semaphore, #tpu.memory_space<semaphore_mem>>) src(%arg7 : memref<4096xf32, #tpu.memory_space<vmem>>) dst(%dma_wait3A_14 : memref<4096xf32, #tpu.memory_space<hbm>>)
    %dma_wait3A_15 = arith.constant 0 : i32
    %dma_wait3A_16 = arith.constant 0 : i32
    %dma_wait3A_17 = tpu.memref_slice %arg4[%scan3A_7, %dma_wait3A_15, %dma_wait3A_16] : memref<26x64x16384xf32, #tpu.memory_space<hbm>> -> memref<1x1x4096xf32, #tpu.memory_space<hbm>>
    %dma_wait3A_18 = tpu.memref_squeeze %dma_wait3A_17 : memref<1x1x4096xf32, #tpu.memory_space<hbm>> -> memref<4096xf32, #tpu.memory_space<hbm>>
    %dma_wait3A_19 = arith.constant 0 : i32
    %dma_wait3A_20 = tpu.memref_slice %arg4[%scan3A_7, %dma_wait3A_15, %dma_wait3A_19] : memref<26x64x16384xf32, #tpu.memory_space<hbm>> -> memref<1x1x4096xf32, #tpu.memory_space<hbm>>
    %dma_wait3A_21 = tpu.memref_squeeze %dma_wait3A_20 : memref<1x1x4096xf32, #tpu.memory_space<hbm>> -> memref<4096xf32, #tpu.memory_space<hbm>>
    tpu.wait_dma2 semaphore(%arg10 : memref<!tpu.dma_semaphore, #tpu.memory_space<semaphore_mem>>) src(%arg7 : memref<4096xf32, #tpu.memory_space<vmem>>) dst(%dma_wait3A_21 : memref<4096xf32, #tpu.memory_space<hbm>>)
    return
  }
}

</mosaic_0001>

<sc_bundles>
// kernel: kernel.3.cloned.1.call-start
scs
__scs_entry_jumppad:
0x0: {  	(pc) =	sbr.rel $0x88, $3  }
0x1: {  	(tag) =	ssettag $0x0;
	lr =	simm.s32 $0x1  }
0x2: {  	[smem:$0x3F9F] =	sst lr;
	_ =	strace $0xD0000000  }
0x3: {  	_ = 	snop  }
0x4: {  	_ = 	snop  }
0x5: {  	_ = 	snop  }
0x6: {  	_ = 	snop  }
0x7: {  	_ = 	snop  }
__scs_overlays_trampoline_lowered:
0x8: {  	[smem:$0x3FAE] =	sst s0  }
0x9: {  	[smem:$0x3FAF] =	sst s1  }
0xa: {  	[smem:$0x3FB0] =	sst s2  }
0xb: {  	[smem:$0x3FB1] =	sst s3  }
0xc: {  	[smem:$0x3FB2] =	sst s4  }
0xd: {  	[smem:$0x3FB3] =	sst s5  }
0xe: {  	[smem:$0x3FB4] =	sst s6  }
0xf: {  	[smem:$0x3FB5] =	sst s7  }
0x10: {  	[smem:$0x3FB6] =	sst s8  }
0x11: {  	[smem:$0x3FB7] =	sst s9;
	s0 =	simm.s32 @!p0 $0x0  }
0x12: {  	s1 =	sld [smem:$0x3F9D];
	s0 =	simm.s32 @p0 $0x1  }
0x13: {  	[smem:$0x3FB8] =	sst s0;
	s0 =	simm.s32 @!p1 $0x0  }
0x14: {  	s2 =	sld [smem:$0x3F9C];
	s0 =	simm.s32 @p1 $0x1  }
0x15: {  	[smem:$0x3FB9] =	sst s0;
	s0 =	simm.s32 @!p2 $0x0  }
0x16: {  	s3 =	sld [smem:$0x3FDB];
	s0 =	simm.s32 @p2 $0x1  }
0x17: {  	s4 =	simm.s32 $0x1BF5;
	[smem:$0x3FBB] =	sst s0  }
0x18: {  	s0 =	sld [smem:$0x3F9E];
	_ =	swait.ge [sflag:s4], $0x0  }
0x19: {  	s7 =	sld [smem:$0x3F9F]  }
0x1a: {  	s8 =	sadd.s32 $0xFFFFE003, lr  }
0x1b: {  	s9 =	sadd.s32 $0xFFFFFEF7, lr;
	s5 =	simm.s32 $0xFFFFFFFF;
	p2 =	slt.u32 s8, $0xFFFFF086  }
0x1c: {  	p1 =	slt.u32 s9, $0xF7A;
	s5 =	simm.s32 @!p2 $0x0  }
0x1d: {  	s5 =	simm.s32 @p1 $0x1;
	p0 =	seq.s32 s7, s2  }
0x1e: {  	s7 =	smul.u32 @!p0 $0xF7A, s2;
	p2 =	seq.s32 @!p0 s5, $0x0  }
0x1f: {  	s9 =	smul.u32 $0xF7A, s1;
	s8 =	simm.s32 @!p0 $0x1BF5;
	p2 =	por !p2, p0  }
0x20: {  	[sflag:s8] =	ssyncset.s32 @!p0 $0xFFFFF086;
	s6 =	sadd.s32 @!p0 s3, s7;
	s7 =	simm.s32 @!p0 $0x108  }
0x21: {  	s3 =	sadd.s32 s3, s9;
	s6 =	sadd.s32 @!p0 $0x88, s6;
	s7 =	simm.s32 @p2 $0x1082  }
0x22: {  	[simem:s7], [sflag:s8] =	dma.local @!p0 [hbm:s6], $0xF7A  }
0x23: {  	s9 =	sor.u32 $0xD0000000, s2;
	s6 =	simm.s32 $0x108;
	_ =	swait.ge @!p0 [sflag:s8], $0x0  }
0x24: {  	s3 =	sadd.s32 $0x88, s3;
	s6 =	simm.s32 @!p1 $0x1082;
	[sflag:s4] =	ssyncset.s32 $0xFFFFF086  }
0x25: {  	[simem:s6], [sflag:s4] =	dma.local [hbm:s3], $0xF7A  }
0x26: {  	[smem:$0x3F9F] =	sst s1;
	(tag) =	ssettag s2;
	_ =	strace s9  }
0x27: {  	s1 =	sld [smem:$0x3FAF]  }
0x28: {  	s2 =	sld [smem:$0x3FB0]  }
0x29: {  	s4 =	sld [smem:$0x3FB2]  }
0x2a: {  	p0 =	seq.s32 s5, $0x0;
	s5 =	sld [smem:$0x3FB3]  }
0x2b: {  	s6 =	sld [smem:$0x3FB4]  }
0x2c: {  	s7 =	sld [smem:$0x3FB5]  }
0x2d: {  	s3 =	simm.s32 $0x108;
	s8 =	sld [smem:$0x3FB6]  }
0x2e: {  	s3 =	simm.s32 @!p0 $0x1082;
	s9 =	sld [smem:$0x3FB7]  }
0x2f: {  	lr =	sadd.s32 s0, s3;
	s0 =	sld [smem:$0x3FAE]  }
0x30: {  	s3 =	sld [smem:$0x3FB1]  }
0x31: {  	[smem:$0x3FBA] =	sst s10  }
0x32: {  	s10 =	sld [smem:$0x3FB8];
	_ =	sdelay $0x3  }
0x33: {  	p0 =	seq.s32 s10, $0x1;
	s10 =	sld [smem:$0x3FBA];
	_ =	sdelay $0x3  }
0x34: {  	[smem:$0x3FBA] =	sst s10  }
0x35: {  	s10 =	sld [smem:$0x3FB9];
	_ =	sdelay $0x3  }
0x36: {  	p1 =	seq.s32 s10, $0x1;
	s10 =	sld [smem:$0x3FBA];
	_ =	sdelay $0x3  }
0x37: {  	[smem:$0x3FBA] =	sst s10  }
0x38: {  	s10 =	sld [smem:$0x3FBB]  }
0x39: {  	_ = 	snop;
	(pc) =	sbr.ind lr, $3  }
0x3a: {  	_ = 	snop  }
0x3b: {  	_ = 	snop  }
0x3c: {  	p2 =	seq.s32 s10, $0x1;
	s10 =	sld [smem:$0x3FBA]  }
0x3d: {  	_ =	shalt  }
0x3e: {  	_ =	shalt  }
0x3f: {  	_ =	shalt  }
0x40: {  	_ =	shalt  }
0x41: {  	_ =	shalt  }
0x42: {  	_ =	shalt  }
0x43: {  	_ =	shalt  }
0x44: {  	_ =	shalt  }
0x45: {  	_ =	shalt  }
0x46: {  	_ =	shalt  }
0x47: {  	_ =	shalt  }
0x48: {  	_ =	shalt  }
0x49: {  	_ =	shalt  }
0x4a: {  	_ =	shalt  }
0x4b: {  	_ =	shalt  }
0x4c: {  	_ =	shalt  }
0x4d: {  	_ =	shalt  }
0x4e: {  	_ =	shalt  }
0x4f: {  	_ =	shalt  }
0x50: {  	_ =	shalt  }
0x51: {  	_ =	shalt  }
0x52: {  	_ =	shalt  }
0x53: {  	_ =	shalt  }
0x54: {  	_ =	shalt  }
0x55: {  	_ =	shalt  }
0x56: {  	_ =	shalt  }
0x57: {  	_ =	shalt  }
0x58: {  	_ =	shalt  }
0x59: {  	_ =	shalt  }
0x5a: {  	_ =	shalt  }
0x5b: {  	_ =	shalt  }
0x5c: {  	_ =	shalt  }
0x5d: {  	_ =	shalt  }
0x5e: {  	_ =	shalt  }
0x5f: {  	_ =	shalt  }
0x60: {  	_ =	shalt  }
0x61: {  	_ =	shalt  }
0x62: {  	_ =	shalt  }
0x63: {  	_ =	shalt  }
0x64: {  	_ =	shalt  }
0x65: {  	_ =	shalt  }
0x66: {  	_ =	shalt  }
0x67: {  	_ =	shalt  }
0x68: {  	_ =	shalt  }
0x69: {  	_ =	shalt  }
0x6a: {  	_ =	shalt  }
0x6b: {  	_ =	shalt  }
0x6c: {  	_ =	shalt  }
0x6d: {  	_ =	shalt  }
0x6e: {  	_ =	shalt  }
0x6f: {  	_ =	shalt  }
0x70: {  	_ =	shalt  }
0x71: {  	_ =	shalt  }
0x72: {  	_ =	shalt  }
0x73: {  	_ =	shalt  }
0x74: {  	_ =	shalt  }
0x75: {  	_ =	shalt  }
0x76: {  	_ =	shalt  }
0x77: {  	_ =	shalt  }
0x78: {  	_ =	shalt  }
0x79: {  	_ =	shalt  }
0x7a: {  	_ =	shalt  }
0x7b: {  	_ =	shalt  }
0x7c: {  	_ =	shalt  }
0x7d: {  	_ =	shalt  }
0x7e: {  	_ =	shalt  }
0x7f: {  	_ =	shalt  }
0x80: {  	_ =	shalt  }
0x81: {  	_ =	shalt  }
0x82: {  	_ =	shalt  }
0x83: {  	_ =	shalt  }
0x84: {  	_ =	shalt  }
0x85: {  	_ =	shalt  }
0x86: {  	_ =	shalt  }
0x87: {  	_ =	shalt  }
.Lfunc_end0:
.L_simem_size_0:
called_computation_lowered:
.L_overlay_start_0:
0x88: {  	s2 =	sld [smem:$0x3FD9]  }
0x89: {  	s3 =	sld [smem:$0x3FFE];
	_ =	sdelay $0x1  }
0x8a: {  	s1 =	srdreg.scid  }
0x8b: {  	s0 =	sand.u32 $0x1, s1  }
0x8c: {  	s18 =	sshll.u32 s0, $0xA;
	s2 =	sadd.s32 s3, s2  }
0x8d: {  	s2 =	sadd.s32 s2, s18  }
0x8e: {  	[smem:$0x3FC6] =	sst s2  }
0x8f: {  	_ = 	snop  }
0x90: {  	s2 =	sld [smem:$0x3FC9]  }
0x91: {  	s19 =	sld [smem:$0x3FC8]  }
0x92: {  	s4 =	sld [smem:$0x3FD0];
	(tm) =	ssettm $0x1  }
0x93: {  	s5 =	sld [smem:$0x3FFB];
	_ =	sdelay $0x3  }
0x94: {  	_ =	strace s5  }
0x95: {  	s5 =	sld [smem:$0x3FFC];
	_ =	sdelay $0x3  }
0x96: {  	_ =	strace s5  }
0x97: {  	s5 =	sld [smem:$0x3FFD];
	_ =	sdelay $0x3  }
0x98: {  	_ =	strace s5  }
0x99: {  	_ =	strace $0x8FFFFFFF  }
0x9a: {  	s20 =	sld [smem:$0x3FDB];
	_ =	sdelay $0x1  }
0x9b: {  	s6 =	simm.s32 $_scs_section_size  }
0x9c: {  	s7 =	simm.s32 $_size__tile_overlayer_lowered;
	s8 =	simm.s32 $_tile_overlayer_lowered  }
0x9d: {  	s23 =	simm.s32 $0x1BFF;
	s22 =	sshll.u32 s8, $0x1;
	s5 =	sadd.s32 s6, s20  }
0x9e: {  	s9 =	simm.s32 $0x0;
	s21 =	sshll.u32 s7, $0x1;
	s7 =	sadd.s32 s22, s5  }
0x9f: {  	[timem:s9], [sflag:s23] =	dma.local [hbm:s7], s21  }
0xa0: {  	_ =	swait.ge [sflag:s23], s21  }
0xa1: {  	s6 =	ssub.s32 $0x0, s21;
	[sflag:s23] =	ssyncset.done $0x0  }
0xa2: {  	[sflag:s23] =	ssyncadd.s32 s6;
	_ =	sdelay $0x1  }
0xa3: {  	s24 =	simm.s32 $0x1B8B  }
0xa4: {  	_ =	swait.ge [sflag:s24], $0x1  }
0xa5: {  	[sflag:s24] =	ssyncset.done $0x0  }
0xa6: {  	s25 =	simm.s32 $0x1B8E;
	[sflag:s24] =	ssyncadd.s32 $0xFFFFFFFF  }
0xa7: {  	s26 =	simm.s32 $execute0_lowered;
	[smem:$0x3FD2] =	sst s25  }
0xa8: {  	s6 =	sshll.u32 s26, $0x1;
	_ =	strace $0x80000046;
	[dreg:$0x1] =	wrdreg $0xFFFFFFFF  }
0xa9: {  	s28 =	simm.s32 $_size_execute0_lowered;
	s5 =	sadd.s32 s5, s6;
	[dreg:$0x0] =	wrdreg $0x0  }
0xaa: {  	s6 =	sshll.u32 s28, $0x1;
	[dreg:$0x2] =	wrdreg s5  }
0xab: {  	[dreg:$0x3] =	wrdreg s6  }
0xac: {  	[dreg:$0x4] =	wrdreg $0xC0  }
0xad: {  	_ =	task [dreg:s9], $0x5FFFF  }
0xae: {  	[dreg:$0x1] =	wrdreg $0xFFFFFFFF  }
0xaf: {  	[dreg:$0x0] =	wrdreg $0x60  }
0xb0: {  	[dreg:$0x2] =	wrdreg s2  }
0xb1: {  	[dreg:$0x3] =	wrdreg s19  }
0xb2: {  	[dreg:$0x4] =	wrdreg s4  }
0xb3: {  	[dreg:$0x5] =	wrdreg $0x9  }
0xb4: {  	_ =	task.clear_ibuf [dreg:s9], $0x6FFFF;
	_ =	strace $0x90000046  }
0xb5: {  	s29 =	simm.s32 $0x9;
	_ =	strace $0x80000048  }
0xb6: {  	_ =	swait.ge [sflag:s29], $0x1  }
0xb7: {  	[sflag:s29] =	ssyncadd.s32 $0xFFFFFFFF  }
0xb8: {  	_ =	strace $0x90000048  }
0xb9: {  	_ =	sfence  }
0xba: {  	s30 =	sld [smem:$0x0];
	_ =	sdelay $0x2  }
0xbb: {  	s31 =	sshll.u32 s1, $0xD;
	s1 =	sshrl.u32 s1, $0x2  }
0xbc: {  	s3 =	sand.u32 $0x4000, s31;
	s1 =	sadd.s32 s1, s30  }
0xbd: {  	s0 =	sor.u32 s3, s0;
	s1 =	sshll.u32 s1, $0x11  }
0xbe: {  	s0 =	sor.u32 s1, s0  }
0xbf: {  	s0 =	sadd.s32 $0x8F2B, s0  }
0xc0: {  	[sflag:s0] =	ssyncadd.remote.s32 $0x1  }
0xc1: {  	_ =	sfence.sel $0xFFFF  }
0xc2: {  	[dreg:$0x0] =	wrdreg $0xFFFFFFFF;
	(pc) =	sbr.abs _section_cstart, $3  }
0xc3: {  	[dreg:$0x1] =	wrdreg $0xFFFFFFFF  }
0xc4: {  	_ =	task.clear_ibuf [dreg:s9], $0x2FFFF;
	_ =	strace $0x9FFFFFFF  }
0xc5: {  	(tm) =	ssettm $0x7FFFFFFF  }
tec
execute0_lowered:
.L_overlay_start_1:
0x0: {  	(tag) =	ssettag $0x1  }
0x1: {  	s1 =	rddreg [dreg:$0x0]  }
0x2: {  	s2 =	rddreg [dreg:$0x1]  }
0x3: {  	s3 =	rddreg [dreg:$0x2]  }
0x4: {  	s4 =	srdreg.scid;
	s0 =	rddreg [dreg:$0x3];
	s5 =	simm.s32 $0x0  }
0x5: {  	s11 =	simm.s32 $0x80;
	s12 =	simm.s32 $0x400;
	s13 =	simm.s32 $0x1  }
0x6: {  	s14 =	simm.s32 $0x1C700;
	s15 =	simm.s32 $0x1D700;
	s16 =	simm.s32 $0x2  }
0x7: {  	s17 =	simm.s32 $0x0;
	s6 =	sand.u32 $0x1, s4;
	s4 =	stileid.u32  }
0x8: {  	[smem:$0x7FF] =	sst s5;
	s7 =	ssub.s32 $0x2, s6;
	s9 =	sshll.u32 s4, $0x1  }
0x9: {  	_ =	strace $0x80000047;
	s8 =	sshrl.u32 s7, $0x1;
	s6 =	sor.u32 s6, s9  }
0xa: {  	s9 =	sadd.s32 $0x3000, s3;
	s10 =	ssub.s32 s7, s8;
	s6 =	smul.u32 $0x34, s6  }
0xb: {  	s7 =	sadd.s32 $0x1000, s3;
	s8 =	sadd.s32 $0x2000, s3;
	s10 =	smax.u32 s10, $0x1  }
.LBB2_1:
0xc: {  	s19 =	simm.s32 $0xFFFFFFFF;
	s18 =	simm.s32 $0x0  }
.LBB2_2:
0xd: {  	s21 =	sadd.s32 s6, s18  }
0xe: {  	s22 =	smov.u32 s19;
	s19 =	sshrl.u32 s21, $0x6;
	s20 =	sshrl.u32 s21, $0x3  }
0xf: {  	s20 =	sand.u32 $0x7, s20;
	s23 =	smul.u32 $0x61C000, s19  }
0x10: {  	s24 =	smul.u32 $0xC3800, s20  }
0x11: {  	s21 =	sshll.u32 s21, $0x7  }
0x12: {  	s21 =	sand.u32 $0x380, s21;
	s23 =	sadd.s32 s23, s24  }
0x13: {  	s23 =	sor.u32 s21, s23  }
0x14: {  	p0 =	seq.s32 s19, s22;
	s23 =	sshrl.u32 s23, $0x3  }
0x15: {  	s22 =	sshll.u32 @!p0 s19, $0x4;
	s23 =	sadd.s32 s2, s23  }
0x16: {  	[tilespmem:s5], [sflag:$0x1] =	stream.strided.gather [hbm4b:s23+s11], $0x18700, s12, s11, $0x38;
	[tilespmem:$0x1E700] =	vst v63  }
0x17: {  	s22 =	sand.u32 @!p0 $0x70, s22;
	s23 =	sshll.u32 @!p0 s19, $0xB  }
0x18: {  	s25 =	simm.s32 @!p0 $0x18700;
	s22 =	sadd.s32 @!p0 s1, s22;
	s23 =	sand.u32 @!p0 $0xFFFC000, s23  }
0x19: {  	s24 =	simm.s32 @!p0 $0x400;
	s22 =	sadd.s32 @!p0 s23, s22;
	s23 =	simm.s32 @!p0 $0x80  }
0x1a: {  	[tilespmem:s25], [sflag:$0x3] =	stream.strided.gather @!p0 [hbm4b:s22+s23], $0x4000, s24, s23, $0x38;
	[tilespmem:$0x1E700] =	vst v63  }
0x1b: {  	s22 =	simm.s32 @!p0 $0x3  }
0x1c: {  	_ =	swait.ge @!p0 [sflag:s22], $0x4000  }
0x1d: {  	[sflag:s22] =	ssyncset.done @!p0 $0x0  }
0x1e: {  	[sflag:s22] =	ssyncadd.s32 @!p0 $0xFFFFC000  }
0x1f: {  	_ =	swait.ge [sflag:s13], $0x18700  }
0x20: {  	p0 =	seq.s32 s18, $0x0;
	[sflag:s13] =	ssyncset.done $0x0  }
0x21: {  	s22 =	simm.s32 @!p0 $0x2;
	[sflag:s13] =	ssyncadd.s32 $0xFFFE7900  }
0x22: {  	_ =	swait.ge @!p0 [sflag:s22], $0x1000  }
0x23: {  	[sflag:s22] =	ssyncset.done @!p0 $0x0  }
0x24: {  	s31 =	simm.s32 $0x18800;
	[sflag:s22] =	ssyncadd.s32 @!p0 $0xFFFFF000  }
0x25: {  	v0 =	vld [tilespmem:s31+$0xF0]  }
0x26: {  	v1 =	vld [tilespmem:s31+$0xFFFFFF10]  }
0x27: {  	v2 =	vld [tilespmem:s31+$0xFFFFFF20]  }
0x28: {  	v3 =	vld [tilespmem:s31+$0xFFFFFF30]  }
0x29: {  	v4 =	vld [tilespmem:s31+$0xFFFFFF40]  }
0x2a: {  	v5 =	vld [tilespmem:s31+$0xFFFFFF50]  }
0x2b: {  	v6 =	vld [tilespmem:s31+$0xFFFFFF60]  }
0x2c: {  	v7 =	vld [tilespmem:s31+$0xFFFFFF70]  }
0x2d: {  	v8 =	vld [tilespmem:s31+$0xFFFFFF80]  }
0x2e: {  	v9 =	vld [tilespmem:s31+$0xFFFFFF90]  }
0x2f: {  	v10 =	vld [tilespmem:s31+$0xFFFFFFA0]  }
0x30: {  	v11 =	vld [tilespmem:s31+$0xFFFFFFB0]  }
0x31: {  	v12 =	vld [tilespmem:s31+$0xFFFFFFC0]  }
0x32: {  	v13 =	vld [tilespmem:s31+$0xFFFFFFD0]  }
0x33: {  	v14 =	vld [tilespmem:s31+$0xFFFFFFE0]  }
0x34: {  	v15 =	vld [tilespmem:s31+$0xFFFFFFF0]  }
0x35: {  	v16 =	vld [tilespmem:s31+$0x0]  }
0x36: {  	v17 =	vld [tilespmem:s31+$0x10]  }
0x37: {  	v18 =	vld [tilespmem:s31+$0x20]  }
0x38: {  	v19 =	vld [tilespmem:s31+$0x30]  }
0x39: {  	v20 =	vld [tilespmem:s31+$0x40]  }
0x3a: {  	v21 =	vld [tilespmem:s31+$0x50]  }
0x3b: {  	v22 =	vld [tilespmem:s31+$0x60]  }
0x3c: {  	v23 =	vld [tilespmem:s31+$0x70]  }
0x3d: {  	v24 =	vld [tilespmem:s31+$0x80]  }
0x3e: {  	v25 =	vld [tilespmem:s31+$0x90]  }
0x3f: {  	v26 =	vld [tilespmem:s31+$0xA0]  }
0x40: {  	v27 =	vld [tilespmem:s31+$0xB0]  }
0x41: {  	v28 =	vld [tilespmem:s31+$0xC0]  }
0x42: {  	v29 =	vld [tilespmem:s31+$0xD0]  }
0x43: {  	v30 =	vld [tilespmem:s31+$0xE0]  }
0x44: {  	v31 =	vld [tilespmem:s31+$0xFFFFFF00]  }
0x45: {  	v0 =	vld.idx.msk [tilespmem:v0+s5+$0x0], $0xffff  }
0x46: {  	v1 =	vld.idx.msk [tilespmem:v1+s5+$0x0], $0xffff  }
0x47: {  	v2 =	vld.idx.msk [tilespmem:v2+s5+$0x0], $0xffff  }
0x48: {  	v3 =	vld.idx.msk [tilespmem:v3+s5+$0x0], $0xffff  }
0x49: {  	v4 =	vld.idx.msk [tilespmem:v4+s5+$0x0], $0xffff  }
0x4a: {  	s22 =	simm.s32 $0x1C800;
	v5 =	vld.idx.msk [tilespmem:v5+s5+$0x0], $0xffff  }
0x4b: {  	v62 =	vld.idx.msk [tilespmem:v23+s5+$0x0], $0xffff;
	[tilespmem:s22+$0xF0] =	vst v0  }
0x4c: {  	v63 =	vld.idx.msk [tilespmem:v24+s5+$0x0], $0xffff;
	[tilespmem:s22+$0xFFFFFF10] =	vst v1  }
0x4d: {  	v0 =	vld.idx.msk [tilespmem:v6+s5+$0x0], $0xffff;
	[tilespmem:s22+$0xFFFFFF20] =	vst v2  }
0x4e: {  	v1 =	vld.idx.msk [tilespmem:v7+s5+$0x0], $0xffff;
	[tilespmem:s22+$0xFFFFFF30] =	vst v3  }
0x4f: {  	v6 =	vld.idx.msk [tilespmem:v31+s5+$0x0], $0xffff;
	[tilespmem:s22+$0xFFFFFF40] =	vst v4  }
0x50: {  	v2 =	vld.idx.msk [tilespmem:v8+s5+$0x0], $0xffff;
	[tilespmem:s22+$0xFFFFFF50] =	vst v5  }
0x51: {  	v3 =	vld.idx.msk [tilespmem:v9+s5+$0x0], $0xffff;
	[tilespmem:s22+$0x70] =	vst v62  }
0x52: {  	v4 =	vld.idx.msk [tilespmem:v10+s5+$0x0], $0xffff;
	[tilespmem:s22+$0x80] =	vst v63  }
0x53: {  	v5 =	vld.idx.msk [tilespmem:v13+s5+$0x0], $0xffff;
	[tilespmem:s22+$0xFFFFFF60] =	vst v0  }
0x54: {  	v7 =	vld.idx.msk [tilespmem:v22+s5+$0x0], $0xffff;
	[tilespmem:s22+$0xFFFFFF70] =	vst v1  }
0x55: {  	v0 =	vld.idx.msk [tilespmem:v11+s5+$0x0], $0xffff;
	[tilespmem:s22+$0xFFFFFF00] =	vst v6  }
0x56: {  	v1 =	vld.idx.msk [tilespmem:v12+s5+$0x0], $0xffff;
	[tilespmem:s22+$0xFFFFFF80] =	vst v2  }
0x57: {  	v2 =	vld.idx.msk [tilespmem:v14+s5+$0x0], $0xffff;
	[tilespmem:s22+$0xFFFFFF90] =	vst v3  }
0x58: {  	v3 =	vld.idx.msk [tilespmem:v15+s5+$0x0], $0xffff;
	[tilespmem:s22+$0xFFFFFFA0] =	vst v4  }
0x59: {  	v4 =	vld.idx.msk [tilespmem:v16+s5+$0x0], $0xffff;
	[tilespmem:s22+$0xFFFFFFD0] =	vst v5  }
0x5a: {  	v5 =	vld.idx.msk [tilespmem:v19+s5+$0x0], $0xffff;
	[tilespmem:s22+$0x60] =	vst v7  }
0x5b: {  	v6 =	vld.idx.msk [tilespmem:v21+s5+$0x0], $0xffff;
	[tilespmem:s22+$0xFFFFFFB0] =	vst v0  }
0x5c: {  	v0 =	vld.idx.msk [tilespmem:v17+s5+$0x0], $0xffff;
	[tilespmem:s22+$0xFFFFFFC0] =	vst v1  }
0x5d: {  	v1 =	vld.idx.msk [tilespmem:v18+s5+$0x0], $0xffff;
	[tilespmem:s22+$0xFFFFFFE0] =	vst v2  }
0x5e: {  	v2 =	vld.idx.msk [tilespmem:v20+s5+$0x0], $0xffff;
	[tilespmem:s22+$0xFFFFFFF0] =	vst v3  }
0x5f: {  	[tilespmem:s22+$0x0] =	vst v4;
	v3 =	vld.idx.msk [tilespmem:v25+s5+$0x0], $0xffff  }
0x60: {  	[tilespmem:s22+$0x30] =	vst v5;
	v4 =	vld.idx.msk [tilespmem:v26+s5+$0x0], $0xffff  }
0x61: {  	[tilespmem:s22+$0x50] =	vst v6;
	v5 =	vld.idx.msk [tilespmem:v30+s5+$0x0], $0xffff  }
0x62: {  	[tilespmem:s22+$0x10] =	vst v0;
	v0 =	vld.idx.msk [tilespmem:v27+s5+$0x0], $0xffff  }
0x63: {  	[tilespmem:s22+$0x20] =	vst v1;
	v1 =	vld.idx.msk [tilespmem:v28+s5+$0x0], $0xffff  }
0x64: {  	s23 =	simm.s32 $0x0;
	s24 =	simm.s32 $0x18A00;
	[tilespmem:s22+$0x40] =	vst v2;
	v2 =	vld.idx.msk [tilespmem:v29+s5+$0x0], $0xffff  }
.LBB2_3:
0x65: {  	v6 =	vld [tilespmem:s24+$0xF0];
	s23 =	sadd.s32 $0x200, s23;
	[tilespmem:s22+$0x90] =	vst v3  }
0x66: {  	v3 =	vld [tilespmem:s24+$0xFFFFFF10];
	p1 =	slt.u32 s23, $0xE00;
	[tilespmem:s22+$0xA0] =	vst v4  }
0x67: {  	v4 =	vld [tilespmem:s24+$0xFFFFFF20];
	[tilespmem:s22+$0xB0] =	vst v0  }
0x68: {  	v0 =	vld [tilespmem:s24+$0xFFFFFF30];
	[tilespmem:s22+$0xC0] =	vst v1  }
0x69: {  	v1 =	vld [tilespmem:s24+$0xFFFFFF40];
	[tilespmem:s22+$0xD0] =	vst v2  }
0x6a: {  	v2 =	vld [tilespmem:s24+$0xFFFFFF50];
	[tilespmem:s22+$0xE0] =	vst v5  }
0x6b: {  	v5 =	vld [tilespmem:s24+$0xFFFFFF60]  }
0x6c: {  	v7 =	vld [tilespmem:s24+$0xFFFFFF70]  }
0x6d: {  	v6 =	vld.idx.msk [tilespmem:v6+s5+$0x0], $0xffff  }
0x6e: {  	v8 =	vld [tilespmem:s24+$0xFFFFFF80]  }
0x6f: {  	v9 =	vld [tilespmem:s24+$0xFFFFFF90]  }
0x70: {  	v10 =	vld [tilespmem:s24+$0xFFFFFFA0]  }
0x71: {  	v11 =	vld [tilespmem:s24+$0xFFFFFFB0]  }
0x72: {  	s22 =	sadd.s32 $0x200, s22;
	v12 =	vld [tilespmem:s24+$0xFFFFFFC0]  }
0x73: {  	v13 =	vld [tilespmem:s24+$0xFFFFFFD0];
	[tilespmem:s22+$0xF0] =	vst v6  }
0x74: {  	v6 =	vld [tilespmem:s24+$0xFFFFFFE0]  }
0x75: {  	v14 =	vld [tilespmem:s24+$0xFFFFFFF0]  }
0x76: {  	v15 =	vld [tilespmem:s24+$0x0]  }
0x77: {  	v16 =	vld [tilespmem:s24+$0x10]  }
0x78: {  	v17 =	vld [tilespmem:s24+$0x20]  }
0x79: {  	v18 =	vld [tilespmem:s24+$0x30]  }
0x7a: {  	v19 =	vld [tilespmem:s24+$0x40]  }
0x7b: {  	v20 =	vld [tilespmem:s24+$0x50]  }
0x7c: {  	v21 =	vld [tilespmem:s24+$0x60]  }
0x7d: {  	v22 =	vld [tilespmem:s24+$0x70]  }
0x7e: {  	v23 =	vld [tilespmem:s24+$0x80]  }
0x7f: {  	v24 =	vld [tilespmem:s24+$0x90]  }
0x80: {  	v25 =	vld [tilespmem:s24+$0xA0]  }
0x81: {  	v26 =	vld [tilespmem:s24+$0xB0]  }
0x82: {  	v27 =	vld [tilespmem:s24+$0xC0]  }
0x83: {  	v28 =	vld [tilespmem:s24+$0xD0]  }
0x84: {  	v29 =	vld [tilespmem:s24+$0xE0]  }
0x85: {  	v30 =	vld [tilespmem:s24+$0xFFFFFF00]  }
0x86: {  	v3 =	vld.idx.msk [tilespmem:v3+s5+$0x0], $0xffff  }
0x87: {  	v4 =	vld.idx.msk [tilespmem:v4+s5+$0x0], $0xffff  }
0x88: {  	v0 =	vld.idx.msk [tilespmem:v0+s5+$0x0], $0xffff  }
0x89: {  	v1 =	vld.idx.msk [tilespmem:v1+s5+$0x0], $0xffff  }
0x8a: {  	v2 =	vld.idx.msk [tilespmem:v2+s5+$0x0], $0xffff  }
0x8b: {  	v5 =	vld.idx.msk [tilespmem:v5+s5+$0x0], $0xffff  }
0x8c: {  	[tilespmem:s22+$0xFFFFFF10] =	vst v3;
	v3 =	vld.idx.msk [tilespmem:v7+s5+$0x0], $0xffff  }
0x8d: {  	v7 =	vld.idx.msk [tilespmem:v30+s5+$0x0], $0xffff;
	[tilespmem:s22+$0xFFFFFF20] =	vst v4  }
0x8e: {  	[tilespmem:s22+$0xFFFFFF30] =	vst v0;
	v0 =	vld.idx.msk [tilespmem:v8+s5+$0x0], $0xffff  }
0x8f: {  	[tilespmem:s22+$0xFFFFFF40] =	vst v1;
	v1 =	vld.idx.msk [tilespmem:v9+s5+$0x0], $0xffff  }
0x90: {  	[tilespmem:s22+$0xFFFFFF50] =	vst v2;
	v2 =	vld.idx.msk [tilespmem:v10+s5+$0x0], $0xffff  }
0x91: {  	[tilespmem:s22+$0xFFFFFF60] =	vst v5;
	v4 =	vld.idx.msk [tilespmem:v11+s5+$0x0], $0xffff  }
0x92: {  	[tilespmem:s22+$0xFFFFFF70] =	vst v3;
	v3 =	vld.idx.msk [tilespmem:v12+s5+$0x0], $0xffff  }
0x93: {  	[tilespmem:s22+$0xFFFFFF00] =	vst v7;
	v5 =	vld.idx.msk [tilespmem:v13+s5+$0x0], $0xffff  }
0x94: {  	[tilespmem:s22+$0xFFFFFF80] =	vst v0;
	v0 =	vld.idx.msk [tilespmem:v6+s5+$0x0], $0xffff  }
0x95: {  	[tilespmem:s22+$0xFFFFFF90] =	vst v1;
	v1 =	vld.idx.msk [tilespmem:v14+s5+$0x0], $0xffff  }
0x96: {  	[tilespmem:s22+$0xFFFFFFA0] =	vst v2;
	v2 =	vld.idx.msk [tilespmem:v15+s5+$0x0], $0xffff  }
0x97: {  	[tilespmem:s22+$0xFFFFFFB0] =	vst v4;
	v4 =	vld.idx.msk [tilespmem:v16+s5+$0x0], $0xffff  }
0x98: {  	[tilespmem:s22+$0xFFFFFFC0] =	vst v3;
	v3 =	vld.idx.msk [tilespmem:v17+s5+$0x0], $0xffff  }
0x99: {  	[tilespmem:s22+$0xFFFFFFD0] =	vst v5;
	v5 =	vld.idx.msk [tilespmem:v18+s5+$0x0], $0xffff  }
0x9a: {  	[tilespmem:s22+$0xFFFFFFE0] =	vst v0;
	v0 =	vld.idx.msk [tilespmem:v19+s5+$0x0], $0xffff  }
0x9b: {  	[tilespmem:s22+$0xFFFFFFF0] =	vst v1;
	v1 =	vld.idx.msk [tilespmem:v20+s5+$0x0], $0xffff  }
0x9c: {  	[tilespmem:s22+$0x0] =	vst v2;
	v2 =	vld.idx.msk [tilespmem:v21+s5+$0x0], $0xffff  }
0x9d: {  	[tilespmem:s22+$0x10] =	vst v4;
	v6 =	vld.idx.msk [tilespmem:v22+s5+$0x0], $0xffff  }
0x9e: {  	[tilespmem:s22+$0x20] =	vst v3;
	v7 =	vld.idx.msk [tilespmem:v23+s5+$0x0], $0xffff  }
0x9f: {  	[tilespmem:s22+$0x30] =	vst v5;
	v3 =	vld.idx.msk [tilespmem:v24+s5+$0x0], $0xffff  }
.Ltmp0:
0xa0: {  	[tilespmem:s22+$0x40] =	vst v0;
	v4 =	vld.idx.msk [tilespmem:v25+s5+$0x0], $0xffff;
	(pc) =	sbr.rel @p1 .LBB2_3-.Ltmp0, $4  }
0xa1: {  	[tilespmem:s22+$0x50] =	vst v1;
	v0 =	vld.idx.msk [tilespmem:v26+s5+$0x0], $0xffff  }
0xa2: {  	[tilespmem:s22+$0x60] =	vst v2;
	v1 =	vld.idx.msk [tilespmem:v27+s5+$0x0], $0xffff  }
0xa3: {  	[tilespmem:s22+$0x70] =	vst v6;
	v2 =	vld.idx.msk [tilespmem:v28+s5+$0x0], $0xffff  }
0xa4: {  	s24 =	sadd.s32 $0x200, s24;
	[tilespmem:s22+$0x80] =	vst v7;
	v5 =	vld.idx.msk [tilespmem:v29+s5+$0x0], $0xffff  }
0xa5: {  	[tilespmem:s22+$0x90] =	vst v3  }
0xa6: {  	[tilespmem:s22+$0xA0] =	vst v4;
	s23 =	sshll.u32 s19, $0x14;
	s20 =	sshll.u32 s20, $0x11  }
0xa7: {  	[tilespmem:s22+$0xB0] =	vst v0;
	s20 =	sor.u32 s23, s20  }
0xa8: {  	[tilespmem:s22+$0xC0] =	vst v1;
	s20 =	sor.u32 s21, s20  }
0xa9: {  	[tilespmem:s22+$0xD0] =	vst v2;
	s20 =	sshrl.u32 s20, $0x3  }
0xaa: {  	s21 =	simm.s32 @!p0 $0x2;
	[tilespmem:s22+$0xE0] =	vst v5;
	s30 =	sadd.s32 s3, s20  }
0xab: {  	[hbm4b:s30+s11] =	stream.strided.scatter [tilespmem:s14], [sflag:$0x2], $0x1000, s12, s11, $0x38;
	[tilespmem:$0x1E700] =	vst v63  }
0xac: {  	_ =	swait.ge @!p0 [sflag:s21], $0x1000  }
0xad: {  	[sflag:s21] =	ssyncset.done @!p0 $0x0  }
0xae: {  	s31 =	simm.s32 $0x198F0;
	[sflag:s21] =	ssyncadd.s32 @!p0 $0xFFFFF000  }
0xaf: {  	v0 =	vld [tilespmem:s31+$0x0]  }
0xb0: {  	v1 =	vld [tilespmem:s31+$0xFFFFFE20]  }
0xb1: {  	v2 =	vld [tilespmem:s31+$0xFFFFFE30]  }
0xb2: {  	v3 =	vld [tilespmem:s31+$0xFFFFFE40]  }
0xb3: {  	v4 =	vld [tilespmem:s31+$0xFFFFFE50]  }
0xb4: {  	v5 =	vld [tilespmem:s31+$0xFFFFFE60]  }
0xb5: {  	v6 =	vld [tilespmem:s31+$0xFFFFFE70]  }
0xb6: {  	v7 =	vld [tilespmem:s31+$0xFFFFFE80]  }
0xb7: {  	v8 =	vld [tilespmem:s31+$0xFFFFFE90]  }
0xb8: {  	v9 =	vld [tilespmem:s31+$0xFFFFFEA0]  }
0xb9: {  	v10 =	vld [tilespmem:s31+$0xFFFFFEB0]  }
0xba: {  	v11 =	vld [tilespmem:s31+$0xFFFFFEC0]  }
0xbb: {  	v12 =	vld [tilespmem:s31+$0xFFFFFED0]  }
0xbc: {  	v13 =	vld [tilespmem:s31+$0xFFFFFEE0]  }
0xbd: {  	v14 =	vld [tilespmem:s31+$0xFFFFFEF0]  }
0xbe: {  	v15 =	vld [tilespmem:s31+$0xFFFFFF00]  }
0xbf: {  	v16 =	vld [tilespmem:s31+$0xFFFFFF10]  }
0xc0: {  	v17 =	vld [tilespmem:s31+$0xFFFFFF20]  }
0xc1: {  	v18 =	vld [tilespmem:s31+$0xFFFFFF30]  }
0xc2: {  	v19 =	vld [tilespmem:s31+$0xFFFFFF40]  }
0xc3: {  	v20 =	vld [tilespmem:s31+$0xFFFFFF50]  }
0xc4: {  	v21 =	vld [tilespmem:s31+$0xFFFFFF60]  }
0xc5: {  	v22 =	vld [tilespmem:s31+$0xFFFFFF70]  }
0xc6: {  	v23 =	vld [tilespmem:s31+$0xFFFFFF80]  }
0xc7: {  	v24 =	vld [tilespmem:s31+$0xFFFFFF90]  }
0xc8: {  	v25 =	vld [tilespmem:s31+$0xFFFFFFA0]  }
0xc9: {  	v26 =	vld [tilespmem:s31+$0xFFFFFFB0]  }
0xca: {  	v27 =	vld [tilespmem:s31+$0xFFFFFFC0]  }
0xcb: {  	v28 =	vld [tilespmem:s31+$0xFFFFFFD0]  }
0xcc: {  	v29 =	vld [tilespmem:s31+$0xFFFFFFE0]  }
0xcd: {  	v30 =	vld [tilespmem:s31+$0xFFFFFFF0]  }
0xce: {  	v31 =	vld [tilespmem:s31+$0xFFFFFE10]  }
0xcf: {  	v0 =	vld.idx.msk [tilespmem:v0+s5+$0x0], $0xffff  }
0xd0: {  	v1 =	vld.idx.msk [tilespmem:v1+s5+$0x0], $0xffff  }
0xd1: {  	v2 =	vld.idx.msk [tilespmem:v2+s5+$0x0], $0xffff  }
0xd2: {  	v3 =	vld.idx.msk [tilespmem:v3+s5+$0x0], $0xffff  }
0xd3: {  	v4 =	vld.idx.msk [tilespmem:v4+s5+$0x0], $0xffff  }
0xd4: {  	s21 =	simm.s32 $0x1D800;
	v5 =	vld.idx.msk [tilespmem:v5+s5+$0x0], $0xffff  }
0xd5: {  	[tilespmem:s21+$0xF0] =	vst v0;
	v0 =	vld.idx.msk [tilespmem:v6+s5+$0x0], $0xffff  }
0xd6: {  	[tilespmem:s21+$0xFFFFFF10] =	vst v1;
	v1 =	vld.idx.msk [tilespmem:v7+s5+$0x0], $0xffff  }
0xd7: {  	v6 =	vld.idx.msk [tilespmem:v31+s5+$0x0], $0xffff;
	[tilespmem:s21+$0xFFFFFF20] =	vst v2  }
0xd8: {  	[tilespmem:s21+$0xFFFFFF30] =	vst v3;
	v2 =	vld.idx.msk [tilespmem:v8+s5+$0x0], $0xffff  }
0xd9: {  	[tilespmem:s21+$0xFFFFFF40] =	vst v4;
	v3 =	vld.idx.msk [tilespmem:v9+s5+$0x0], $0xffff  }
0xda: {  	[tilespmem:s21+$0xFFFFFF50] =	vst v5;
	v4 =	vld.idx.msk [tilespmem:v10+s5+$0x0], $0xffff  }
0xdb: {  	v5 =	vld.idx.msk [tilespmem:v13+s5+$0x0], $0xffff;
	[tilespmem:s21+$0xFFFFFF60] =	vst v0  }
0xdc: {  	v7 =	vld.idx.msk [tilespmem:v24+s5+$0x0], $0xffff;
	[tilespmem:s21+$0xFFFFFF70] =	vst v1  }
0xdd: {  	v0 =	vld.idx.msk [tilespmem:v11+s5+$0x0], $0xffff;
	[tilespmem:s21+$0xFFFFFF00] =	vst v6  }
0xde: {  	v1 =	vld.idx.msk [tilespmem:v12+s5+$0x0], $0xffff;
	[tilespmem:s21+$0xFFFFFF80] =	vst v2  }
0xdf: {  	v2 =	vld.idx.msk [tilespmem:v14+s5+$0x0], $0xffff;
	[tilespmem:s21+$0xFFFFFF90] =	vst v3  }
0xe0: {  	v3 =	vld.idx.msk [tilespmem:v15+s5+$0x0], $0xffff;
	[tilespmem:s21+$0xFFFFFFA0] =	vst v4  }
0xe1: {  	v4 =	vld.idx.msk [tilespmem:v16+s5+$0x0], $0xffff;
	[tilespmem:s21+$0xFFFFFFD0] =	vst v5  }
0xe2: {  	v5 =	vld.idx.msk [tilespmem:v19+s5+$0x0], $0xffff;
	[tilespmem:s21+$0x80] =	vst v7  }
0xe3: {  	v6 =	vld.idx.msk [tilespmem:v23+s5+$0x0], $0xffff;
	[tilespmem:s21+$0xFFFFFFB0] =	vst v0  }
0xe4: {  	v0 =	vld.idx.msk [tilespmem:v17+s5+$0x0], $0xffff;
	[tilespmem:s21+$0xFFFFFFC0] =	vst v1  }
0xe5: {  	v1 =	vld.idx.msk [tilespmem:v18+s5+$0x0], $0xffff;
	[tilespmem:s21+$0xFFFFFFE0] =	vst v2  }
0xe6: {  	v2 =	vld.idx.msk [tilespmem:v20+s5+$0x0], $0xffff;
	[tilespmem:s21+$0xFFFFFFF0] =	vst v3  }
0xe7: {  	v3 =	vld.idx.msk [tilespmem:v21+s5+$0x0], $0xffff;
	[tilespmem:s21+$0x0] =	vst v4  }
0xe8: {  	v4 =	vld.idx.msk [tilespmem:v22+s5+$0x0], $0xffff;
	[tilespmem:s21+$0x30] =	vst v5  }
0xe9: {  	[tilespmem:s21+$0x70] =	vst v6;
	v5 =	vld.idx.msk [tilespmem:v30+s5+$0x0], $0xffff  }
0xea: {  	[tilespmem:s21+$0x10] =	vst v0;
	v0 =	vld.idx.msk [tilespmem:v25+s5+$0x0], $0xffff  }
0xeb: {  	[tilespmem:s21+$0x20] =	vst v1;
	v1 =	vld.idx.msk [tilespmem:v26+s5+$0x0], $0xffff  }
0xec: {  	[tilespmem:s21+$0x40] =	vst v2;
	v2 =	vld.idx.msk [tilespmem:v27+s5+$0x0], $0xffff  }
0xed: {  	[tilespmem:s21+$0x50] =	vst v3;
	v3 =	vld.idx.msk [tilespmem:v28+s5+$0x0], $0xffff  }
0xee: {  	s23 =	simm.s32 $0x19AF0;
	s22 =	simm.s32 $0x0;
	[tilespmem:s21+$0x60] =	vst v4;
	v4 =	vld.idx.msk [tilespmem:v29+s5+$0x0], $0xffff  }
.LBB2_5:
0xef: {  	v6 =	vld [tilespmem:s23+$0x0];
	s22 =	sadd.s32 $0x200, s22;
	[tilespmem:s21+$0x90] =	vst v0  }
0xf0: {  	v0 =	vld [tilespmem:s23+$0xFFFFFE20];
	p0 =	slt.u32 s22, $0xE00;
	[tilespmem:s21+$0xA0] =	vst v1  }
0xf1: {  	v1 =	vld [tilespmem:s23+$0xFFFFFE30];
	[tilespmem:s21+$0xB0] =	vst v2  }
0xf2: {  	v2 =	vld [tilespmem:s23+$0xFFFFFE40];
	[tilespmem:s21+$0xC0] =	vst v3  }
0xf3: {  	v3 =	vld [tilespmem:s23+$0xFFFFFE50];
	[tilespmem:s21+$0xD0] =	vst v4  }
0xf4: {  	v4 =	vld [tilespmem:s23+$0xFFFFFE60];
	[tilespmem:s21+$0xE0] =	vst v5  }
0xf5: {  	v5 =	vld [tilespmem:s23+$0xFFFFFE70]  }
0xf6: {  	v7 =	vld [tilespmem:s23+$0xFFFFFE80]  }
0xf7: {  	v6 =	vld.idx.msk [tilespmem:v6+s5+$0x0], $0xffff  }
0xf8: {  	v8 =	vld [tilespmem:s23+$0xFFFFFE90]  }
0xf9: {  	v9 =	vld [tilespmem:s23+$0xFFFFFEA0]  }
0xfa: {  	v10 =	vld [tilespmem:s23+$0xFFFFFEB0]  }
0xfb: {  	v11 =	vld [tilespmem:s23+$0xFFFFFEC0]  }
0xfc: {  	s21 =	sadd.s32 $0x200, s21;
	v12 =	vld [tilespmem:s23+$0xFFFFFED0]  }
0xfd: {  	v13 =	vld [tilespmem:s23+$0xFFFFFEE0];
	[tilespmem:s21+$0xF0] =	vst v6  }
0xfe: {  	v6 =	vld [tilespmem:s23+$0xFFFFFEF0]  }
0xff: {  	v14 =	vld [tilespmem:s23+$0xFFFFFF00]  }
0x100: {  	v15 =	vld [tilespmem:s23+$0xFFFFFF10]  }
0x101: {  	v16 =	vld [tilespmem:s23+$0xFFFFFF20]  }
0x102: {  	v17 =	vld [tilespmem:s23+$0xFFFFFF30]  }
0x103: {  	v18 =	vld [tilespmem:s23+$0xFFFFFF40]  }
0x104: {  	v19 =	vld [tilespmem:s23+$0xFFFFFF50]  }
0x105: {  	v20 =	vld [tilespmem:s23+$0xFFFFFF60]  }
0x106: {  	v21 =	vld [tilespmem:s23+$0xFFFFFF70]  }
0x107: {  	v22 =	vld [tilespmem:s23+$0xFFFFFF80]  }
0x108: {  	v23 =	vld [tilespmem:s23+$0xFFFFFF90]  }
0x109: {  	v24 =	vld [tilespmem:s23+$0xFFFFFFA0]  }
0x10a: {  	v25 =	vld [tilespmem:s23+$0xFFFFFFB0]  }
0x10b: {  	v26 =	vld [tilespmem:s23+$0xFFFFFFC0]  }
0x10c: {  	v27 =	vld [tilespmem:s23+$0xFFFFFFD0]  }
0x10d: {  	v28 =	vld [tilespmem:s23+$0xFFFFFFE0]  }
0x10e: {  	v29 =	vld [tilespmem:s23+$0xFFFFFFF0]  }
0x10f: {  	v30 =	vld [tilespmem:s23+$0xFFFFFE10]  }
0x110: {  	v0 =	vld.idx.msk [tilespmem:v0+s5+$0x0], $0xffff  }
0x111: {  	v1 =	vld.idx.msk [tilespmem:v1+s5+$0x0], $0xffff  }
0x112: {  	v2 =	vld.idx.msk [tilespmem:v2+s5+$0x0], $0xffff  }
0x113: {  	v3 =	vld.idx.msk [tilespmem:v3+s5+$0x0], $0xffff  }
0x114: {  	v4 =	vld.idx.msk [tilespmem:v4+s5+$0x0], $0xffff  }
0x115: {  	v5 =	vld.idx.msk [tilespmem:v5+s5+$0x0], $0xffff  }
0x116: {  	[tilespmem:s21+$0xFFFFFF10] =	vst v0;
	v0 =	vld.idx.msk [tilespmem:v7+s5+$0x0], $0xffff  }
0x117: {  	v7 =	vld.idx.msk [tilespmem:v30+s5+$0x0], $0xffff;
	[tilespmem:s21+$0xFFFFFF20] =	vst v1  }
0x118: {  	[tilespmem:s21+$0xFFFFFF30] =	vst v2;
	v1 =	vld.idx.msk [tilespmem:v8+s5+$0x0], $0xffff  }
0x119: {  	[tilespmem:s21+$0xFFFFFF40] =	vst v3;
	v2 =	vld.idx.msk [tilespmem:v9+s5+$0x0], $0xffff  }
0x11a: {  	[tilespmem:s21+$0xFFFFFF50] =	vst v4;
	v3 =	vld.idx.msk [tilespmem:v10+s5+$0x0], $0xffff  }
0x11b: {  	[tilespmem:s21+$0xFFFFFF60] =	vst v5;
	v4 =	vld.idx.msk [tilespmem:v11+s5+$0x0], $0xffff  }
0x11c: {  	[tilespmem:s21+$0xFFFFFF70] =	vst v0;
	v0 =	vld.idx.msk [tilespmem:v12+s5+$0x0], $0xffff  }
0x11d: {  	[tilespmem:s21+$0xFFFFFF00] =	vst v7;
	v5 =	vld.idx.msk [tilespmem:v13+s5+$0x0], $0xffff  }
0x11e: {  	[tilespmem:s21+$0xFFFFFF80] =	vst v1;
	v1 =	vld.idx.msk [tilespmem:v6+s5+$0x0], $0xffff  }
0x11f: {  	[tilespmem:s21+$0xFFFFFF90] =	vst v2;
	v2 =	vld.idx.msk [tilespmem:v14+s5+$0x0], $0xffff  }
0x120: {  	[tilespmem:s21+$0xFFFFFFA0] =	vst v3;
	v3 =	vld.idx.msk [tilespmem:v15+s5+$0x0], $0xffff  }
0x121: {  	[tilespmem:s21+$0xFFFFFFB0] =	vst v4;
	v4 =	vld.idx.msk [tilespmem:v16+s5+$0x0], $0xffff  }
0x122: {  	[tilespmem:s21+$0xFFFFFFC0] =	vst v0;
	v0 =	vld.idx.msk [tilespmem:v17+s5+$0x0], $0xffff  }
0x123: {  	[tilespmem:s21+$0xFFFFFFD0] =	vst v5;
	v5 =	vld.idx.msk [tilespmem:v18+s5+$0x0], $0xffff  }
0x124: {  	[tilespmem:s21+$0xFFFFFFE0] =	vst v1;
	v1 =	vld.idx.msk [tilespmem:v19+s5+$0x0], $0xffff  }
0x125: {  	[tilespmem:s21+$0xFFFFFFF0] =	vst v2;
	v2 =	vld.idx.msk [tilespmem:v20+s5+$0x0], $0xffff  }
0x126: {  	[tilespmem:s21+$0x0] =	vst v3;
	v3 =	vld.idx.msk [tilespmem:v21+s5+$0x0], $0xffff  }
0x127: {  	[tilespmem:s21+$0x10] =	vst v4;
	v4 =	vld.idx.msk [tilespmem:v22+s5+$0x0], $0xffff  }
0x128: {  	[tilespmem:s21+$0x20] =	vst v0;
	v6 =	vld.idx.msk [tilespmem:v23+s5+$0x0], $0xffff  }
0x129: {  	[tilespmem:s21+$0x30] =	vst v5;
	v0 =	vld.idx.msk [tilespmem:v24+s5+$0x0], $0xffff  }
.Ltmp1:
0x12a: {  	[tilespmem:s21+$0x40] =	vst v1;
	v1 =	vld.idx.msk [tilespmem:v25+s5+$0x0], $0xffff;
	(pc) =	sbr.rel @p0 .LBB2_5-.Ltmp1, $4  }
0x12b: {  	[tilespmem:s21+$0x50] =	vst v2;
	v2 =	vld.idx.msk [tilespmem:v26+s5+$0x0], $0xffff  }
0x12c: {  	[tilespmem:s21+$0x60] =	vst v3;
	v3 =	vld.idx.msk [tilespmem:v27+s5+$0x0], $0xffff  }
0x12d: {  	[tilespmem:s21+$0x70] =	vst v4;
	v4 =	vld.idx.msk [tilespmem:v28+s5+$0x0], $0xffff  }
0x12e: {  	s23 =	sadd.s32 $0x200, s23;
	[tilespmem:s21+$0x80] =	vst v6;
	v5 =	vld.idx.msk [tilespmem:v29+s5+$0x0], $0xffff  }
0x12f: {  	[tilespmem:s21+$0x90] =	vst v0  }
0x130: {  	[tilespmem:s21+$0xA0] =	vst v1  }
0x131: {  	[tilespmem:s21+$0xB0] =	vst v2  }
0x132: {  	[tilespmem:s21+$0xC0] =	vst v3  }
0x133: {  	[tilespmem:s21+$0xD0] =	vst v4  }
0x134: {  	s30 =	sadd.s32 s20, s7;
	[tilespmem:s21+$0xE0] =	vst v5  }
0x135: {  	[hbm4b:s30+s11] =	stream.strided.scatter [tilespmem:s15], [sflag:$0x2], $0x1000, s12, s11, $0x38;
	[tilespmem:$0x1E700] =	vst v63  }
0x136: {  	_ =	swait.ge [sflag:s16], $0x1000  }
0x137: {  	[sflag:s16] =	ssyncset.done $0x0  }
0x138: {  	s31 =	simm.s32 $0x1A8F0;
	[sflag:s16] =	ssyncadd.s32 $0xFFFFF000  }
0x139: {  	v0 =	vld [tilespmem:s31+$0x0]  }
0x13a: {  	v1 =	vld [tilespmem:s31+$0xFFFFFE20]  }
0x13b: {  	v2 =	vld [tilespmem:s31+$0xFFFFFE30]  }
0x13c: {  	v3 =	vld [tilespmem:s31+$0xFFFFFE40]  }
0x13d: {  	v4 =	vld [tilespmem:s31+$0xFFFFFE50]  }
0x13e: {  	v5 =	vld [tilespmem:s31+$0xFFFFFE60]  }
0x13f: {  	v6 =	vld [tilespmem:s31+$0xFFFFFE70]  }
0x140: {  	v7 =	vld [tilespmem:s31+$0xFFFFFE80]  }
0x141: {  	v8 =	vld [tilespmem:s31+$0xFFFFFE90]  }
0x142: {  	v9 =	vld [tilespmem:s31+$0xFFFFFEA0]  }
0x143: {  	v10 =	vld [tilespmem:s31+$0xFFFFFEB0]  }
0x144: {  	v11 =	vld [tilespmem:s31+$0xFFFFFEC0]  }
0x145: {  	v12 =	vld [tilespmem:s31+$0xFFFFFED0]  }
0x146: {  	v13 =	vld [tilespmem:s31+$0xFFFFFEE0]  }
0x147: {  	v14 =	vld [tilespmem:s31+$0xFFFFFEF0]  }
0x148: {  	v15 =	vld [tilespmem:s31+$0xFFFFFF00]  }
0x149: {  	v16 =	vld [tilespmem:s31+$0xFFFFFF10]  }
0x14a: {  	v17 =	vld [tilespmem:s31+$0xFFFFFF20]  }
0x14b: {  	v18 =	vld [tilespmem:s31+$0xFFFFFF30]  }
0x14c: {  	v19 =	vld [tilespmem:s31+$0xFFFFFF40]  }
0x14d: {  	v20 =	vld [tilespmem:s31+$0xFFFFFF50]  }
0x14e: {  	v21 =	vld [tilespmem:s31+$0xFFFFFF60]  }
0x14f: {  	v22 =	vld [tilespmem:s31+$0xFFFFFF70]  }
0x150: {  	v23 =	vld [tilespmem:s31+$0xFFFFFF80]  }
0x151: {  	v24 =	vld [tilespmem:s31+$0xFFFFFF90]  }
0x152: {  	v25 =	vld [tilespmem:s31+$0xFFFFFFA0]  }
0x153: {  	v26 =	vld [tilespmem:s31+$0xFFFFFFB0]  }
0x154: {  	v27 =	vld [tilespmem:s31+$0xFFFFFFC0]  }
0x155: {  	v28 =	vld [tilespmem:s31+$0xFFFFFFD0]  }
0x156: {  	v29 =	vld [tilespmem:s31+$0xFFFFFFE0]  }
0x157: {  	v30 =	vld [tilespmem:s31+$0xFFFFFFF0]  }
0x158: {  	v31 =	vld [tilespmem:s31+$0xFFFFFE10]  }
0x159: {  	v0 =	vld.idx.msk [tilespmem:v0+s5+$0x0], $0xffff  }
0x15a: {  	v1 =	vld.idx.msk [tilespmem:v1+s5+$0x0], $0xffff  }
0x15b: {  	v2 =	vld.idx.msk [tilespmem:v2+s5+$0x0], $0xffff  }
0x15c: {  	v3 =	vld.idx.msk [tilespmem:v3+s5+$0x0], $0xffff  }
0x15d: {  	v4 =	vld.idx.msk [tilespmem:v4+s5+$0x0], $0xffff  }
0x15e: {  	s21 =	simm.s32 $0x1C800;
	v5 =	vld.idx.msk [tilespmem:v5+s5+$0x0], $0xffff  }
0x15f: {  	[tilespmem:s21+$0xF0] =	vst v0;
	v0 =	vld.idx.msk [tilespmem:v6+s5+$0x0], $0xffff  }
0x160: {  	[tilespmem:s21+$0xFFFFFF10] =	vst v1;
	v1 =	vld.idx.msk [tilespmem:v7+s5+$0x0], $0xffff  }
0x161: {  	v6 =	vld.idx.msk [tilespmem:v31+s5+$0x0], $0xffff;
	[tilespmem:s21+$0xFFFFFF20] =	vst v2  }
0x162: {  	[tilespmem:s21+$0xFFFFFF30] =	vst v3;
	v2 =	vld.idx.msk [tilespmem:v8+s5+$0x0], $0xffff  }
0x163: {  	[tilespmem:s21+$0xFFFFFF40] =	vst v4;
	v3 =	vld.idx.msk [tilespmem:v9+s5+$0x0], $0xffff  }
0x164: {  	[tilespmem:s21+$0xFFFFFF50] =	vst v5;
	v4 =	vld.idx.msk [tilespmem:v10+s5+$0x0], $0xffff  }
0x165: {  	v5 =	vld.idx.msk [tilespmem:v13+s5+$0x0], $0xffff;
	[tilespmem:s21+$0xFFFFFF60] =	vst v0  }
0x166: {  	v7 =	vld.idx.msk [tilespmem:v24+s5+$0x0], $0xffff;
	[tilespmem:s21+$0xFFFFFF70] =	vst v1  }
0x167: {  	v0 =	vld.idx.msk [tilespmem:v11+s5+$0x0], $0xffff;
	[tilespmem:s21+$0xFFFFFF00] =	vst v6  }
0x168: {  	v1 =	vld.idx.msk [tilespmem:v12+s5+$0x0], $0xffff;
	[tilespmem:s21+$0xFFFFFF80] =	vst v2  }
0x169: {  	v2 =	vld.idx.msk [tilespmem:v14+s5+$0x0], $0xffff;
	[tilespmem:s21+$0xFFFFFF90] =	vst v3  }
0x16a: {  	v3 =	vld.idx.msk [tilespmem:v15+s5+$0x0], $0xffff;
	[tilespmem:s21+$0xFFFFFFA0] =	vst v4  }
0x16b: {  	v4 =	vld.idx.msk [tilespmem:v16+s5+$0x0], $0xffff;
	[tilespmem:s21+$0xFFFFFFD0] =	vst v5  }
0x16c: {  	v5 =	vld.idx.msk [tilespmem:v19+s5+$0x0], $0xffff;
	[tilespmem:s21+$0x80] =	vst v7  }
0x16d: {  	v6 =	vld.idx.msk [tilespmem:v23+s5+$0x0], $0xffff;
	[tilespmem:s21+$0xFFFFFFB0] =	vst v0  }
0x16e: {  	v0 =	vld.idx.msk [tilespmem:v17+s5+$0x0], $0xffff;
	[tilespmem:s21+$0xFFFFFFC0] =	vst v1  }
0x16f: {  	v1 =	vld.idx.msk [tilespmem:v18+s5+$0x0], $0xffff;
	[tilespmem:s21+$0xFFFFFFE0] =	vst v2  }
0x170: {  	v2 =	vld.idx.msk [tilespmem:v20+s5+$0x0], $0xffff;
	[tilespmem:s21+$0xFFFFFFF0] =	vst v3  }
0x171: {  	v3 =	vld.idx.msk [tilespmem:v21+s5+$0x0], $0xffff;
	[tilespmem:s21+$0x0] =	vst v4  }
0x172: {  	v4 =	vld.idx.msk [tilespmem:v22+s5+$0x0], $0xffff;
	[tilespmem:s21+$0x30] =	vst v5  }
0x173: {  	[tilespmem:s21+$0x70] =	vst v6;
	v5 =	vld.idx.msk [tilespmem:v30+s5+$0x0], $0xffff  }
0x174: {  	[tilespmem:s21+$0x10] =	vst v0;
	v0 =	vld.idx.msk [tilespmem:v25+s5+$0x0], $0xffff  }
0x175: {  	[tilespmem:s21+$0x20] =	vst v1;
	v1 =	vld.idx.msk [tilespmem:v26+s5+$0x0], $0xffff  }
0x176: {  	[tilespmem:s21+$0x40] =	vst v2;
	v2 =	vld.idx.msk [tilespmem:v27+s5+$0x0], $0xffff  }
0x177: {  	[tilespmem:s21+$0x50] =	vst v3;
	v3 =	vld.idx.msk [tilespmem:v28+s5+$0x0], $0xffff  }
0x178: {  	s22 =	simm.s32 $0x0;
	s23 =	simm.s32 $0x1AAF0;
	[tilespmem:s21+$0x60] =	vst v4;
	v4 =	vld.idx.msk [tilespmem:v29+s5+$0x0], $0xffff  }
.LBB2_7:
0x179: {  	v6 =	vld [tilespmem:s23+$0x0];
	s22 =	sadd.s32 $0x200, s22;
	[tilespmem:s21+$0x90] =	vst v0  }
0x17a: {  	v0 =	vld [tilespmem:s23+$0xFFFFFE20];
	p0 =	slt.u32 s22, $0xE00;
	[tilespmem:s21+$0xA0] =	vst v1  }
0x17b: {  	v1 =	vld [tilespmem:s23+$0xFFFFFE30];
	[tilespmem:s21+$0xB0] =	vst v2  }
0x17c: {  	v2 =	vld [tilespmem:s23+$0xFFFFFE40];
	[tilespmem:s21+$0xC0] =	vst v3  }
0x17d: {  	v3 =	vld [tilespmem:s23+$0xFFFFFE50];
	[tilespmem:s21+$0xD0] =	vst v4  }
0x17e: {  	v4 =	vld [tilespmem:s23+$0xFFFFFE60];
	[tilespmem:s21+$0xE0] =	vst v5  }
0x17f: {  	v5 =	vld [tilespmem:s23+$0xFFFFFE70]  }
0x180: {  	v7 =	vld [tilespmem:s23+$0xFFFFFE80]  }
0x181: {  	v6 =	vld.idx.msk [tilespmem:v6+s5+$0x0], $0xffff  }
0x182: {  	v8 =	vld [tilespmem:s23+$0xFFFFFE90]  }
0x183: {  	v9 =	vld [tilespmem:s23+$0xFFFFFEA0]  }
0x184: {  	v10 =	vld [tilespmem:s23+$0xFFFFFEB0]  }
0x185: {  	v11 =	vld [tilespmem:s23+$0xFFFFFEC0]  }
0x186: {  	s21 =	sadd.s32 $0x200, s21;
	v12 =	vld [tilespmem:s23+$0xFFFFFED0]  }
0x187: {  	v13 =	vld [tilespmem:s23+$0xFFFFFEE0];
	[tilespmem:s21+$0xF0] =	vst v6  }
0x188: {  	v6 =	vld [tilespmem:s23+$0xFFFFFEF0]  }
0x189: {  	v14 =	vld [tilespmem:s23+$0xFFFFFF00]  }
0x18a: {  	v15 =	vld [tilespmem:s23+$0xFFFFFF10]  }
0x18b: {  	v16 =	vld [tilespmem:s23+$0xFFFFFF20]  }
0x18c: {  	v17 =	vld [tilespmem:s23+$0xFFFFFF30]  }
0x18d: {  	v18 =	vld [tilespmem:s23+$0xFFFFFF40]  }
0x18e: {  	v19 =	vld [tilespmem:s23+$0xFFFFFF50]  }
0x18f: {  	v20 =	vld [tilespmem:s23+$0xFFFFFF60]  }
0x190: {  	v21 =	vld [tilespmem:s23+$0xFFFFFF70]  }
0x191: {  	v22 =	vld [tilespmem:s23+$0xFFFFFF80]  }
0x192: {  	v23 =	vld [tilespmem:s23+$0xFFFFFF90]  }
0x193: {  	v24 =	vld [tilespmem:s23+$0xFFFFFFA0]  }
0x194: {  	v25 =	vld [tilespmem:s23+$0xFFFFFFB0]  }
0x195: {  	v26 =	vld [tilespmem:s23+$0xFFFFFFC0]  }
0x196: {  	v27 =	vld [tilespmem:s23+$0xFFFFFFD0]  }
0x197: {  	v28 =	vld [tilespmem:s23+$0xFFFFFFE0]  }
0x198: {  	v29 =	vld [tilespmem:s23+$0xFFFFFFF0]  }
0x199: {  	v30 =	vld [tilespmem:s23+$0xFFFFFE10]  }
0x19a: {  	v0 =	vld.idx.msk [tilespmem:v0+s5+$0x0], $0xffff  }
0x19b: {  	v1 =	vld.idx.msk [tilespmem:v1+s5+$0x0], $0xffff  }
0x19c: {  	v2 =	vld.idx.msk [tilespmem:v2+s5+$0x0], $0xffff  }
0x19d: {  	v3 =	vld.idx.msk [tilespmem:v3+s5+$0x0], $0xffff  }
0x19e: {  	v4 =	vld.idx.msk [tilespmem:v4+s5+$0x0], $0xffff  }
0x19f: {  	v5 =	vld.idx.msk [tilespmem:v5+s5+$0x0], $0xffff  }
0x1a0: {  	[tilespmem:s21+$0xFFFFFF10] =	vst v0;
	v0 =	vld.idx.msk [tilespmem:v7+s5+$0x0], $0xffff  }
0x1a1: {  	v7 =	vld.idx.msk [tilespmem:v30+s5+$0x0], $0xffff;
	[tilespmem:s21+$0xFFFFFF20] =	vst v1  }
0x1a2: {  	[tilespmem:s21+$0xFFFFFF30] =	vst v2;
	v1 =	vld.idx.msk [tilespmem:v8+s5+$0x0], $0xffff  }
0x1a3: {  	[tilespmem:s21+$0xFFFFFF40] =	vst v3;
	v2 =	vld.idx.msk [tilespmem:v9+s5+$0x0], $0xffff  }
0x1a4: {  	[tilespmem:s21+$0xFFFFFF50] =	vst v4;
	v3 =	vld.idx.msk [tilespmem:v10+s5+$0x0], $0xffff  }
0x1a5: {  	[tilespmem:s21+$0xFFFFFF60] =	vst v5;
	v4 =	vld.idx.msk [tilespmem:v11+s5+$0x0], $0xffff  }
0x1a6: {  	[tilespmem:s21+$0xFFFFFF70] =	vst v0;
	v0 =	vld.idx.msk [tilespmem:v12+s5+$0x0], $0xffff  }
0x1a7: {  	[tilespmem:s21+$0xFFFFFF00] =	vst v7;
	v5 =	vld.idx.msk [tilespmem:v13+s5+$0x0], $0xffff  }
0x1a8: {  	[tilespmem:s21+$0xFFFFFF80] =	vst v1;
	v1 =	vld.idx.msk [tilespmem:v6+s5+$0x0], $0xffff  }
0x1a9: {  	[tilespmem:s21+$0xFFFFFF90] =	vst v2;
	v2 =	vld.idx.msk [tilespmem:v14+s5+$0x0], $0xffff  }
0x1aa: {  	[tilespmem:s21+$0xFFFFFFA0] =	vst v3;
	v3 =	vld.idx.msk [tilespmem:v15+s5+$0x0], $0xffff  }
0x1ab: {  	[tilespmem:s21+$0xFFFFFFB0] =	vst v4;
	v4 =	vld.idx.msk [tilespmem:v16+s5+$0x0], $0xffff  }
0x1ac: {  	[tilespmem:s21+$0xFFFFFFC0] =	vst v0;
	v0 =	vld.idx.msk [tilespmem:v17+s5+$0x0], $0xffff  }
0x1ad: {  	[tilespmem:s21+$0xFFFFFFD0] =	vst v5;
	v5 =	vld.idx.msk [tilespmem:v18+s5+$0x0], $0xffff  }
0x1ae: {  	[tilespmem:s21+$0xFFFFFFE0] =	vst v1;
	v1 =	vld.idx.msk [tilespmem:v19+s5+$0x0], $0xffff  }
0x1af: {  	[tilespmem:s21+$0xFFFFFFF0] =	vst v2;
	v2 =	vld.idx.msk [tilespmem:v20+s5+$0x0], $0xffff  }
0x1b0: {  	[tilespmem:s21+$0x0] =	vst v3;
	v3 =	vld.idx.msk [tilespmem:v21+s5+$0x0], $0xffff  }
0x1b1: {  	[tilespmem:s21+$0x10] =	vst v4;
	v4 =	vld.idx.msk [tilespmem:v22+s5+$0x0], $0xffff  }
0x1b2: {  	[tilespmem:s21+$0x20] =	vst v0;
	v6 =	vld.idx.msk [tilespmem:v23+s5+$0x0], $0xffff  }
0x1b3: {  	[tilespmem:s21+$0x30] =	vst v5;
	v0 =	vld.idx.msk [tilespmem:v24+s5+$0x0], $0xffff  }
.Ltmp2:
0x1b4: {  	[tilespmem:s21+$0x40] =	vst v1;
	v1 =	vld.idx.msk [tilespmem:v25+s5+$0x0], $0xffff;
	(pc) =	sbr.rel @p0 .LBB2_7-.Ltmp2, $4  }
0x1b5: {  	[tilespmem:s21+$0x50] =	vst v2;
	v2 =	vld.idx.msk [tilespmem:v26+s5+$0x0], $0xffff  }
0x1b6: {  	[tilespmem:s21+$0x60] =	vst v3;
	v3 =	vld.idx.msk [tilespmem:v27+s5+$0x0], $0xffff  }
0x1b7: {  	[tilespmem:s21+$0x70] =	vst v4;
	v4 =	vld.idx.msk [tilespmem:v28+s5+$0x0], $0xffff  }
0x1b8: {  	s23 =	sadd.s32 $0x200, s23;
	[tilespmem:s21+$0x80] =	vst v6;
	v5 =	vld.idx.msk [tilespmem:v29+s5+$0x0], $0xffff  }
0x1b9: {  	[tilespmem:s21+$0x90] =	vst v0  }
0x1ba: {  	[tilespmem:s21+$0xA0] =	vst v1  }
0x1bb: {  	[tilespmem:s21+$0xB0] =	vst v2  }
0x1bc: {  	[tilespmem:s21+$0xC0] =	vst v3  }
0x1bd: {  	[tilespmem:s21+$0xD0] =	vst v4  }
0x1be: {  	s30 =	sadd.s32 s20, s8;
	[tilespmem:s21+$0xE0] =	vst v5  }
0x1bf: {  	[hbm4b:s30+s11] =	stream.strided.scatter [tilespmem:s14], [sflag:$0x2], $0x1000, s12, s11, $0x38;
	[tilespmem:$0x1E700] =	vst v63  }
0x1c0: {  	_ =	swait.ge [sflag:s16], $0x1000  }
0x1c1: {  	[sflag:s16] =	ssyncset.done $0x0  }
0x1c2: {  	s31 =	simm.s32 $0x1B8F0;
	[sflag:s16] =	ssyncadd.s32 $0xFFFFF000  }
0x1c3: {  	v0 =	vld [tilespmem:s31+$0x0]  }
0x1c4: {  	v1 =	vld [tilespmem:s31+$0xFFFFFE20]  }
0x1c5: {  	v2 =	vld [tilespmem:s31+$0xFFFFFE30]  }
0x1c6: {  	v3 =	vld [tilespmem:s31+$0xFFFFFE40]  }
0x1c7: {  	v4 =	vld [tilespmem:s31+$0xFFFFFE50]  }
0x1c8: {  	v5 =	vld [tilespmem:s31+$0xFFFFFE60]  }
0x1c9: {  	v6 =	vld [tilespmem:s31+$0xFFFFFE70]  }
0x1ca: {  	v7 =	vld [tilespmem:s31+$0xFFFFFE80]  }
0x1cb: {  	v8 =	vld [tilespmem:s31+$0xFFFFFE90]  }
0x1cc: {  	v9 =	vld [tilespmem:s31+$0xFFFFFEA0]  }
0x1cd: {  	v10 =	vld [tilespmem:s31+$0xFFFFFEB0]  }
0x1ce: {  	v11 =	vld [tilespmem:s31+$0xFFFFFEC0]  }
0x1cf: {  	v12 =	vld [tilespmem:s31+$0xFFFFFED0]  }
0x1d0: {  	v13 =	vld [tilespmem:s31+$0xFFFFFEE0]  }
0x1d1: {  	v14 =	vld [tilespmem:s31+$0xFFFFFEF0]  }
0x1d2: {  	v15 =	vld [tilespmem:s31+$0xFFFFFF00]  }
0x1d3: {  	v16 =	vld [tilespmem:s31+$0xFFFFFF10]  }
0x1d4: {  	v17 =	vld [tilespmem:s31+$0xFFFFFF20]  }
0x1d5: {  	v18 =	vld [tilespmem:s31+$0xFFFFFF30]  }
0x1d6: {  	v19 =	vld [tilespmem:s31+$0xFFFFFF40]  }
0x1d7: {  	v20 =	vld [tilespmem:s31+$0xFFFFFF50]  }
0x1d8: {  	v21 =	vld [tilespmem:s31+$0xFFFFFF60]  }
0x1d9: {  	v22 =	vld [tilespmem:s31+$0xFFFFFF70]  }
0x1da: {  	v23 =	vld [tilespmem:s31+$0xFFFFFF80]  }
0x1db: {  	v24 =	vld [tilespmem:s31+$0xFFFFFF90]  }
0x1dc: {  	v25 =	vld [tilespmem:s31+$0xFFFFFFA0]  }
0x1dd: {  	v26 =	vld [tilespmem:s31+$0xFFFFFFB0]  }
0x1de: {  	v27 =	vld [tilespmem:s31+$0xFFFFFFC0]  }
0x1df: {  	v28 =	vld [tilespmem:s31+$0xFFFFFFD0]  }
0x1e0: {  	v29 =	vld [tilespmem:s31+$0xFFFFFFE0]  }
0x1e1: {  	v30 =	vld [tilespmem:s31+$0xFFFFFFF0]  }
0x1e2: {  	v31 =	vld [tilespmem:s31+$0xFFFFFE10]  }
0x1e3: {  	v0 =	vld.idx.msk [tilespmem:v0+s5+$0x0], $0xffff  }
0x1e4: {  	v1 =	vld.idx.msk [tilespmem:v1+s5+$0x0], $0xffff  }
0x1e5: {  	v2 =	vld.idx.msk [tilespmem:v2+s5+$0x0], $0xffff  }
0x1e6: {  	v3 =	vld.idx.msk [tilespmem:v3+s5+$0x0], $0xffff  }
0x1e7: {  	v4 =	vld.idx.msk [tilespmem:v4+s5+$0x0], $0xffff  }
0x1e8: {  	s21 =	simm.s32 $0x1D800;
	v5 =	vld.idx.msk [tilespmem:v5+s5+$0x0], $0xffff  }
0x1e9: {  	[tilespmem:s21+$0xF0] =	vst v0;
	v0 =	vld.idx.msk [tilespmem:v6+s5+$0x0], $0xffff  }
0x1ea: {  	[tilespmem:s21+$0xFFFFFF10] =	vst v1;
	v1 =	vld.idx.msk [tilespmem:v7+s5+$0x0], $0xffff  }
0x1eb: {  	v6 =	vld.idx.msk [tilespmem:v31+s5+$0x0], $0xffff;
	[tilespmem:s21+$0xFFFFFF20] =	vst v2  }
0x1ec: {  	[tilespmem:s21+$0xFFFFFF30] =	vst v3;
	v2 =	vld.idx.msk [tilespmem:v8+s5+$0x0], $0xffff  }
0x1ed: {  	[tilespmem:s21+$0xFFFFFF40] =	vst v4;
	v3 =	vld.idx.msk [tilespmem:v9+s5+$0x0], $0xffff  }
0x1ee: {  	[tilespmem:s21+$0xFFFFFF50] =	vst v5;
	v4 =	vld.idx.msk [tilespmem:v10+s5+$0x0], $0xffff  }
0x1ef: {  	v5 =	vld.idx.msk [tilespmem:v13+s5+$0x0], $0xffff;
	[tilespmem:s21+$0xFFFFFF60] =	vst v0  }
0x1f0: {  	v7 =	vld.idx.msk [tilespmem:v24+s5+$0x0], $0xffff;
	[tilespmem:s21+$0xFFFFFF70] =	vst v1  }
0x1f1: {  	v0 =	vld.idx.msk [tilespmem:v11+s5+$0x0], $0xffff;
	[tilespmem:s21+$0xFFFFFF00] =	vst v6  }
0x1f2: {  	v1 =	vld.idx.msk [tilespmem:v12+s5+$0x0], $0xffff;
	[tilespmem:s21+$0xFFFFFF80] =	vst v2  }
0x1f3: {  	v2 =	vld.idx.msk [tilespmem:v14+s5+$0x0], $0xffff;
	[tilespmem:s21+$0xFFFFFF90] =	vst v3  }
0x1f4: {  	v3 =	vld.idx.msk [tilespmem:v15+s5+$0x0], $0xffff;
	[tilespmem:s21+$0xFFFFFFA0] =	vst v4  }
0x1f5: {  	v4 =	vld.idx.msk [tilespmem:v16+s5+$0x0], $0xffff;
	[tilespmem:s21+$0xFFFFFFD0] =	vst v5  }
0x1f6: {  	v5 =	vld.idx.msk [tilespmem:v19+s5+$0x0], $0xffff;
	[tilespmem:s21+$0x80] =	vst v7  }
0x1f7: {  	v6 =	vld.idx.msk [tilespmem:v23+s5+$0x0], $0xffff;
	[tilespmem:s21+$0xFFFFFFB0] =	vst v0  }
0x1f8: {  	v0 =	vld.idx.msk [tilespmem:v17+s5+$0x0], $0xffff;
	[tilespmem:s21+$0xFFFFFFC0] =	vst v1  }
0x1f9: {  	v1 =	vld.idx.msk [tilespmem:v18+s5+$0x0], $0xffff;
	[tilespmem:s21+$0xFFFFFFE0] =	vst v2  }
0x1fa: {  	v2 =	vld.idx.msk [tilespmem:v20+s5+$0x0], $0xffff;
	[tilespmem:s21+$0xFFFFFFF0] =	vst v3  }
0x1fb: {  	v3 =	vld.idx.msk [tilespmem:v21+s5+$0x0], $0xffff;
	[tilespmem:s21+$0x0] =	vst v4  }
0x1fc: {  	v4 =	vld.idx.msk [tilespmem:v22+s5+$0x0], $0xffff;
	[tilespmem:s21+$0x30] =	vst v5  }
0x1fd: {  	[tilespmem:s21+$0x70] =	vst v6;
	v5 =	vld.idx.msk [tilespmem:v30+s5+$0x0], $0xffff  }
0x1fe: {  	[tilespmem:s21+$0x10] =	vst v0;
	v0 =	vld.idx.msk [tilespmem:v25+s5+$0x0], $0xffff  }
0x1ff: {  	[tilespmem:s21+$0x20] =	vst v1;
	v1 =	vld.idx.msk [tilespmem:v26+s5+$0x0], $0xffff  }
0x200: {  	[tilespmem:s21+$0x40] =	vst v2;
	v2 =	vld.idx.msk [tilespmem:v27+s5+$0x0], $0xffff  }
0x201: {  	[tilespmem:s21+$0x50] =	vst v3;
	v3 =	vld.idx.msk [tilespmem:v28+s5+$0x0], $0xffff  }
0x202: {  	s22 =	simm.s32 $0x0;
	s23 =	simm.s32 $0x1BAF0;
	[tilespmem:s21+$0x60] =	vst v4;
	v4 =	vld.idx.msk [tilespmem:v29+s5+$0x0], $0xffff  }
.LBB2_9:
0x203: {  	v6 =	vld [tilespmem:s23+$0x0];
	s22 =	sadd.s32 $0x200, s22;
	[tilespmem:s21+$0x90] =	vst v0  }
0x204: {  	v0 =	vld [tilespmem:s23+$0xFFFFFE20];
	p0 =	slt.u32 s22, $0xE00;
	[tilespmem:s21+$0xA0] =	vst v1  }
0x205: {  	v1 =	vld [tilespmem:s23+$0xFFFFFE30];
	[tilespmem:s21+$0xB0] =	vst v2  }
0x206: {  	v2 =	vld [tilespmem:s23+$0xFFFFFE40];
	[tilespmem:s21+$0xC0] =	vst v3  }
0x207: {  	v3 =	vld [tilespmem:s23+$0xFFFFFE50];
	[tilespmem:s21+$0xD0] =	vst v4  }
0x208: {  	v4 =	vld [tilespmem:s23+$0xFFFFFE60];
	[tilespmem:s21+$0xE0] =	vst v5  }
0x209: {  	v5 =	vld [tilespmem:s23+$0xFFFFFE70]  }
0x20a: {  	v7 =	vld [tilespmem:s23+$0xFFFFFE80]  }
0x20b: {  	v6 =	vld.idx.msk [tilespmem:v6+s5+$0x0], $0xffff  }
0x20c: {  	v8 =	vld [tilespmem:s23+$0xFFFFFE90]  }
0x20d: {  	v9 =	vld [tilespmem:s23+$0xFFFFFEA0]  }
0x20e: {  	v10 =	vld [tilespmem:s23+$0xFFFFFEB0]  }
0x20f: {  	v11 =	vld [tilespmem:s23+$0xFFFFFEC0]  }
0x210: {  	s21 =	sadd.s32 $0x200, s21;
	v12 =	vld [tilespmem:s23+$0xFFFFFED0]  }
0x211: {  	v13 =	vld [tilespmem:s23+$0xFFFFFEE0];
	[tilespmem:s21+$0xF0] =	vst v6  }
0x212: {  	v6 =	vld [tilespmem:s23+$0xFFFFFEF0]  }
0x213: {  	v14 =	vld [tilespmem:s23+$0xFFFFFF00]  }
0x214: {  	v15 =	vld [tilespmem:s23+$0xFFFFFF10]  }
0x215: {  	v16 =	vld [tilespmem:s23+$0xFFFFFF20]  }
0x216: {  	v17 =	vld [tilespmem:s23+$0xFFFFFF30]  }
0x217: {  	v18 =	vld [tilespmem:s23+$0xFFFFFF40]  }
0x218: {  	v19 =	vld [tilespmem:s23+$0xFFFFFF50]  }
0x219: {  	v20 =	vld [tilespmem:s23+$0xFFFFFF60]  }
0x21a: {  	v21 =	vld [tilespmem:s23+$0xFFFFFF70]  }
0x21b: {  	v22 =	vld [tilespmem:s23+$0xFFFFFF80]  }
0x21c: {  	v23 =	vld [tilespmem:s23+$0xFFFFFF90]  }
0x21d: {  	v24 =	vld [tilespmem:s23+$0xFFFFFFA0]  }
0x21e: {  	v25 =	vld [tilespmem:s23+$0xFFFFFFB0]  }
0x21f: {  	v26 =	vld [tilespmem:s23+$0xFFFFFFC0]  }
0x220: {  	v27 =	vld [tilespmem:s23+$0xFFFFFFD0]  }
0x221: {  	v28 =	vld [tilespmem:s23+$0xFFFFFFE0]  }
0x222: {  	v29 =	vld [tilespmem:s23+$0xFFFFFFF0]  }
0x223: {  	v30 =	vld [tilespmem:s23+$0xFFFFFE10]  }
0x224: {  	v0 =	vld.idx.msk [tilespmem:v0+s5+$0x0], $0xffff  }
0x225: {  	v1 =	vld.idx.msk [tilespmem:v1+s5+$0x0], $0xffff  }
0x226: {  	v2 =	vld.idx.msk [tilespmem:v2+s5+$0x0], $0xffff  }
0x227: {  	v3 =	vld.idx.msk [tilespmem:v3+s5+$0x0], $0xffff  }
0x228: {  	v4 =	vld.idx.msk [tilespmem:v4+s5+$0x0], $0xffff  }
0x229: {  	v5 =	vld.idx.msk [tilespmem:v5+s5+$0x0], $0xffff  }
0x22a: {  	[tilespmem:s21+$0xFFFFFF10] =	vst v0;
	v0 =	vld.idx.msk [tilespmem:v7+s5+$0x0], $0xffff  }
0x22b: {  	v7 =	vld.idx.msk [tilespmem:v30+s5+$0x0], $0xffff;
	[tilespmem:s21+$0xFFFFFF20] =	vst v1  }
0x22c: {  	[tilespmem:s21+$0xFFFFFF30] =	vst v2;
	v1 =	vld.idx.msk [tilespmem:v8+s5+$0x0], $0xffff  }
0x22d: {  	[tilespmem:s21+$0xFFFFFF40] =	vst v3;
	v2 =	vld.idx.msk [tilespmem:v9+s5+$0x0], $0xffff  }
0x22e: {  	[tilespmem:s21+$0xFFFFFF50] =	vst v4;
	v3 =	vld.idx.msk [tilespmem:v10+s5+$0x0], $0xffff  }
0x22f: {  	[tilespmem:s21+$0xFFFFFF60] =	vst v5;
	v4 =	vld.idx.msk [tilespmem:v11+s5+$0x0], $0xffff  }
0x230: {  	[tilespmem:s21+$0xFFFFFF70] =	vst v0;
	v0 =	vld.idx.msk [tilespmem:v12+s5+$0x0], $0xffff  }
0x231: {  	[tilespmem:s21+$0xFFFFFF00] =	vst v7;
	v5 =	vld.idx.msk [tilespmem:v13+s5+$0x0], $0xffff  }
0x232: {  	[tilespmem:s21+$0xFFFFFF80] =	vst v1;
	v1 =	vld.idx.msk [tilespmem:v6+s5+$0x0], $0xffff  }
0x233: {  	[tilespmem:s21+$0xFFFFFF90] =	vst v2;
	v2 =	vld.idx.msk [tilespmem:v14+s5+$0x0], $0xffff  }
0x234: {  	[tilespmem:s21+$0xFFFFFFA0] =	vst v3;
	v3 =	vld.idx.msk [tilespmem:v15+s5+$0x0], $0xffff  }
0x235: {  	[tilespmem:s21+$0xFFFFFFB0] =	vst v4;
	v4 =	vld.idx.msk [tilespmem:v16+s5+$0x0], $0xffff  }
0x236: {  	[tilespmem:s21+$0xFFFFFFC0] =	vst v0;
	v0 =	vld.idx.msk [tilespmem:v17+s5+$0x0], $0xffff  }
0x237: {  	[tilespmem:s21+$0xFFFFFFD0] =	vst v5;
	v5 =	vld.idx.msk [tilespmem:v18+s5+$0x0], $0xffff  }
0x238: {  	[tilespmem:s21+$0xFFFFFFE0] =	vst v1;
	v1 =	vld.idx.msk [tilespmem:v19+s5+$0x0], $0xffff  }
0x239: {  	[tilespmem:s21+$0xFFFFFFF0] =	vst v2;
	v2 =	vld.idx.msk [tilespmem:v20+s5+$0x0], $0xffff  }
0x23a: {  	[tilespmem:s21+$0x0] =	vst v3;
	v3 =	vld.idx.msk [tilespmem:v21+s5+$0x0], $0xffff  }
0x23b: {  	[tilespmem:s21+$0x10] =	vst v4;
	v4 =	vld.idx.msk [tilespmem:v22+s5+$0x0], $0xffff  }
0x23c: {  	[tilespmem:s21+$0x20] =	vst v0;
	v6 =	vld.idx.msk [tilespmem:v23+s5+$0x0], $0xffff  }
0x23d: {  	[tilespmem:s21+$0x30] =	vst v5;
	v0 =	vld.idx.msk [tilespmem:v24+s5+$0x0], $0xffff  }
.Ltmp3:
0x23e: {  	[tilespmem:s21+$0x40] =	vst v1;
	v1 =	vld.idx.msk [tilespmem:v25+s5+$0x0], $0xffff;
	(pc) =	sbr.rel @p0 .LBB2_9-.Ltmp3, $4  }
0x23f: {  	[tilespmem:s21+$0x50] =	vst v2;
	v2 =	vld.idx.msk [tilespmem:v26+s5+$0x0], $0xffff  }
0x240: {  	[tilespmem:s21+$0x60] =	vst v3;
	v3 =	vld.idx.msk [tilespmem:v27+s5+$0x0], $0xffff  }
0x241: {  	[tilespmem:s21+$0x70] =	vst v4;
	v4 =	vld.idx.msk [tilespmem:v28+s5+$0x0], $0xffff  }
0x242: {  	s23 =	sadd.s32 $0x200, s23;
	[tilespmem:s21+$0x80] =	vst v6;
	v5 =	vld.idx.msk [tilespmem:v29+s5+$0x0], $0xffff  }
0x243: {  	[tilespmem:s21+$0x90] =	vst v0;
	s18 =	sadd.s32 $0x1, s18  }
0x244: {  	[tilespmem:s21+$0xA0] =	vst v1;
	p0 =	sne.s32 s18, $0x34  }
.Ltmp4:
0x245: {  	[tilespmem:s21+$0xB0] =	vst v2;
	(pc) =	sbr.rel @p0 .LBB2_2-.Ltmp4, $4  }
0x246: {  	[tilespmem:s21+$0xC0] =	vst v3  }
0x247: {  	[tilespmem:s21+$0xD0] =	vst v4  }
0x248: {  	s20 =	sadd.s32 s20, s9;
	[tilespmem:s21+$0xE0] =	vst v5  }
0x249: {  	[hbm4b:s20+s11] =	stream.strided.scatter [tilespmem:s15], [sflag:$0x2], $0x1000, s12, s11, $0x38;
	[tilespmem:$0x1E700] =	vst v63  }
0x24a: {  	s17 =	sadd.s32 $0x1, s17  }
0x24b: {  	_ =	swait.ge [sflag:s16], $0x1000;
	p0 =	sne.s32 s17, s10  }
.Ltmp5:
0x24c: {  	[sflag:s16] =	ssyncset.done $0x0;
	(pc) =	sbr.rel @p0 .LBB2_1-.Ltmp5, $4  }
0x24d: {  	[sflag:s16] =	ssyncadd.s32 $0xFFFFF000  }
0x24e: {  	_ =	swait.ge [sflag:s16], $0x1000  }
0x24f: {  	[sflag:s16] =	ssyncset.done $0x0  }
0x250: {  	[sflag:s16] =	ssyncadd.s32 $0xFFFFF000  }
0x251: {  	_ =	sfence.sel $0x180000  }
0x252: {  	[bflag:$0x0] =	sbarrier.arrive $0xFFFF  }
0x253: {  	p0 =	sne.s32 s4, $0x0;
	_ =	strace $0x90000047  }
0x254: {  	s0 =	sadd.s32 @!p0 $0x100000, s0;
	[bflag:$0x2] =	sbarrier.arrive $0xFFFF  }
0x255: {  	[sflag:s0] =	ssyncadd.tile.s32 @!p0 $0x1;
	_ =	shalt  }
.Lfunc_end2:
_tile_overlayer_lowered:
.L_overlay_start_2:
0x256: {  	(tag) =	ssettag $0x2  }
0x257: {  	s0 =	rddreg [dreg:$0x0];
	s2 =	stileid.u32  }
0x258: {  	s1 =	rddreg [dreg:$0x1];
	p0 =	sne.s32 s2, $0x0  }
0x259: {  	s3 =	rddreg [dreg:$0x2];
	[bflag:$0x3] =	sbarrier.arrive $0xFFFF;
	s2 =	simm.s32 @!p0 $0x1C03  }
0x25a: {  	[timem:s3], [sflag:s2] =	dma.local @!p0 [hbm:s0], s1  }
0x25b: {  	s0 =	simm.s32 @!p0 $0x3  }
0x25c: {  	_ =	swait.ge @!p0 [sflag:s0], s1  }
0x25d: {  	s1 =	ssub.s32 @!p0 $0x0, s1;
	[sflag:s0] =	ssyncset.done @!p0 $0x0  }
0x25e: {  	[sflag:s0] =	ssyncadd.s32 @!p0 s1  }
0x25f: {  	[bflag:$0x3] =	sbarrier.arrive $0xFFFF  }
0x260: {  	_ =	shalt  }

</sc_bundles>
